<compile_context>
chip_gen: v7x
topology: tpu7x:2x2x1
jax: 0.10.2.dev20260603
libtpu: 0.0.44.dev20260713+nightly
codegen_flags: <defaults>
</compile_context>

<pallas_src>
import functools

import jax
import jax.numpy as jnp
from jax import lax
from jax.experimental import pallas as pl
from jax.experimental.pallas import tpu as pltpu
from jax.experimental.pallas import tpu_sc as plsc

NC = 2
NS = 16
NW = NC * NS

S = 16384
W = 26
D = 64

SENT_PER_W = S // NW
SPC = 16
CHUNKS = SENT_PER_W // SPC
RPC = SPC * W


def kernel(input, embedding_weight):
    mesh = plsc.VectorSubcoreMesh(core_axis_name="c", subcore_axis_name="s")

    @functools.partial(
        pl.kernel,
        out_type=jax.ShapeDtypeStruct((S, W, D), jnp.bfloat16),
        mesh=mesh,
        scratch_types=[
            pltpu.VMEM((CHUNKS, RPC), jnp.int32),
            pltpu.VMEM((2, RPC, D), jnp.float32),
            pltpu.VMEM((2, SPC, W, D), jnp.bfloat16),
            pltpu.SemaphoreType.DMA,
            pltpu.SemaphoreType.DMA,
            pltpu.SemaphoreType.DMA,
            pltpu.SemaphoreType.DMA,
        ],
        compiler_params=pltpu.CompilerParams(
            needs_layout_passes=False,
            use_tc_tiling_on_sc=False,
            skip_device_barrier=True,
        ),
    )
    def emb(idx_hbm, table_hbm, out_hbm, idx_v, rows_v, out_v,
            sg0, sg1, so0, so1):
        wid = lax.axis_index("s") * NC + lax.axis_index("c")
        sent0 = wid * SENT_PER_W
        sgs = (sg0, sg1)
        sos = (so0, so1)

        pltpu.sync_copy(idx_hbm.at[pl.ds(wid * CHUNKS, CHUNKS)], idx_v)

        def fire_gather(t, b):
            pltpu.async_copy(table_hbm.at[idx_v.at[t]], rows_v.at[b], sgs[b])

        def wait_gather(b):
            pltpu.make_async_copy(
                table_hbm.at[pl.ds(0, RPC)], rows_v.at[b], sgs[b]
            ).wait()

        def fire_out(t, b):
            pltpu.async_copy(
                out_v.at[b], out_hbm.at[pl.ds(sent0 + t * SPC, SPC)], sos[b]
            )

        def wait_out(b):
            pltpu.make_async_copy(
                out_hbm.at[pl.ds(0, SPC)], out_v.at[b], sos[b]
            ).wait()

        lane2 = lax.iota(jnp.int32, 16) * 2
        offs = [lane2, lane2 + 1, lane2 + 32, lane2 + 33]

        def convert(b):
            @pl.loop(0, SPC)
            def conv_s(s):
                @pl.loop(0, W, unroll=2)
                def conv_j(j):
                    row = jnp.full((16,), s * W + j, dtype=jnp.int32)
                    for h in range(2):
                        evens = plsc.load_gather(
                            rows_v.at[b], [row, offs[2 * h]]
                        )
                        odds = plsc.load_gather(
                            rows_v.at[b], [row, offs[2 * h + 1]]
                        )
                        out_v[b, s, j, pl.ds(32 * h, 32)] = plsc.pack(
                            evens, odds, format=plsc.PackFormat.INTERLEAVED
                        )

        fire_gather(0, 0)

        @pl.loop(0, CHUNKS, step=2)
        def pair(t0):
            for b in range(2):
                t = t0 + b

                @pl.when(t + 1 < CHUNKS)
                def _():
                    fire_gather(t + 1, b ^ 1)

                wait_gather(b)

                @pl.when(t >= 2)
                def _():
                    wait_out(b)

                convert(b)
                fire_out(t, b)

        wait_out(0)
        wait_out(1)

    return emb(input.reshape(S * W // RPC, RPC), embedding_weight)

# --- scband reference (transcript-rebuilt; emitter-appended) ---
"""Pipeline reference for scband-casted-embedding-16870631539489 (READ-ONLY COPY).

The authoritative reference and input builder live on the scoring server;
editing this copy changes nothing except your own understanding.
"""

import jax, jax.numpy as jnp
import numpy as np

NUM_EMBEDDINGS = 1000000
EMBEDDING_DIM = 64
INIT_STD = 0.02

def setup_inputs(seed: int = 0) -> dict:
    key = jax.random.key(seed)
    k_idx, k_w = jax.random.split(key)
    indices = jax.random.randint(k_idx, (16384, 26), 0, NUM_EMBEDDINGS, dtype=jnp.int64 if jax.config.jax_enable_x64 else jnp.int32)
    # trunc_normal init approximated by clipped normal (faithful in distribution scale)
    w = jax.random.truncated_normal(k_w, -2.0, 2.0, (NUM_EMBEDDINGS, EMBEDDING_DIM), dtype=jnp.float32) * INIT_STD
    return {"input": indices, "embedding_weight": w}

def reference(input, embedding_weight):
    # CastedEmbedding.forward: F.embedding(input, weight.to(cast_to)) with cast_to=bfloat16
    w_cast = embedding_weight.astype(jnp.bfloat16)
    return jnp.take(w_cast, input, axis=0)

if __name__ == "__main__":
    import jax
    _d = setup_inputs()
    print(jax.jit(kernel)(*tuple(_d.values())))

</pallas_src>

<mosaic_0001>
#map = affine_map<(d0, d1) -> (0, 0)>
#map1 = affine_map<(d0, d1) -> (0, 0, 0)>
module attributes {stable_mosaic.version = 14 : i64} {
  func.func @emb(%arg0: i32, %arg1: i32, %arg2: memref<1024x416xi32, #tpu.memory_space<hbm>>, %arg3: memref<1000000x64xf32, #tpu.memory_space<hbm>>, %arg4: memref<16384x26x64xbf16, #tpu.memory_space<hbm>>, %arg5: memref<32x416xi32, #tpu.memory_space<vmem>>, %arg6: memref<2x416x64xf32, #tpu.memory_space<vmem>>, %arg7: memref<2x16x26x64xbf16, #tpu.memory_space<vmem>>, %arg8: memref<!tpu.dma_semaphore, #tpu.memory_space<semaphore_mem>>, %arg9: memref<!tpu.dma_semaphore, #tpu.memory_space<semaphore_mem>>, %arg10: memref<!tpu.dma_semaphore, #tpu.memory_space<semaphore_mem>>, %arg11: memref<!tpu.dma_semaphore, #tpu.memory_space<semaphore_mem>>) attributes {dimension_semantics = [#tpu.dimension_semantics<core_parallel>, #tpu.dimension_semantics<subcore_parallel>], iteration_bounds = array<i64: 2, 16>, scalar_prefetch = 0 : i64, scratch_operands = 7 : i64, tpu.core_type = #tpu.core_type<sc_vector_subcore>, window_params = [{transform_indices = #map}, {transform_indices = #map}, {transform_indices = #map1}]} {
    %mul3A = arith.constant 2 : i32
    %mul3A_0 = arith.muli %arg1, %mul3A : i32
    %add3A = arith.addi %mul3A_0, %arg0 : i32
    %mul3A_1 = arith.constant 512 : i32
    %mul3A_2 = arith.muli %add3A, %mul3A_1 : i32
    %mul3A_3 = arith.constant 32 : i32
    %mul3A_4 = arith.muli %add3A, %mul3A_3 : i32
    "tpu.region"() ({
      %run_scoped3A = tpu.sem_alloc : memref<!tpu.dma_semaphore, #tpu.memory_space<semaphore_mem>>
      %dma_start3A_69 = arith.constant 0 : i32
      %dma_start3A_70 = tpu.memref_slice %arg2[%mul3A_4, %dma_start3A_69] : memref<1024x416xi32, #tpu.memory_space<hbm>> -> memref<32x416xi32, #tpu.memory_space<hbm>>
      %dma_start3A_71 = arith.constant 0 : i32
      %dma_start3A_72 = tpu.memref_slice %arg2[%mul3A_4, %dma_start3A_71] : memref<1024x416xi32, #tpu.memory_space<hbm>> -> memref<32x416xi32, #tpu.memory_space<hbm>>
      tpu.enqueue_dma source(%dma_start3A_72 : memref<32x416xi32, #tpu.memory_space<hbm>>) target(%arg5 : memref<32x416xi32, #tpu.memory_space<vmem>>) target_semaphore(%run_scoped3A : memref<!tpu.dma_semaphore, #tpu.memory_space<semaphore_mem>>)
      %dma_wait3A_73 = arith.constant 0 : i32
      %dma_wait3A_74 = tpu.memref_slice %arg2[%mul3A_4, %dma_wait3A_73] : memref<1024x416xi32, #tpu.memory_space<hbm>> -> memref<32x416xi32, #tpu.memory_space<hbm>>
      %dma_wait3A_75 = arith.constant 0 : i32
      %dma_wait3A_76 = tpu.memref_slice %arg2[%mul3A_4, %dma_wait3A_75] : memref<1024x416xi32, #tpu.memory_space<hbm>> -> memref<32x416xi32, #tpu.memory_space<hbm>>
      tpu.wait_dma2 semaphore(%run_scoped3A : memref<!tpu.dma_semaphore, #tpu.memory_space<semaphore_mem>>) src(%dma_wait3A_76 : memref<32x416xi32, #tpu.memory_space<hbm>>) dst(%arg5 : memref<32x416xi32, #tpu.memory_space<vmem>>)
      tpu.yield
    }) : () -> ()
    %iota3A = tpu.iota {dimensions = array<i32: 0>} : vector<16xi32>
    %mul3A_5 = arith.constant 2 : i32
    %mul3A_6 = vector.broadcast %mul3A_5 : i32 to vector<16xi32>
    %mul3A_7 = arith.muli %iota3A, %mul3A_6 : vector<16xi32>
    %add3A_8 = arith.constant 1 : i32
    %add3A_9 = vector.broadcast %add3A_8 : i32 to vector<16xi32>
    %add3A_10 = arith.addi %mul3A_7, %add3A_9 : vector<16xi32>
    %add3A_11 = arith.constant 32 : i32
    %add3A_12 = vector.broadcast %add3A_11 : i32 to vector<16xi32>
    %add3A_13 = arith.addi %mul3A_7, %add3A_12 : vector<16xi32>
    %add3A_14 = arith.constant 33 : i32
    %add3A_15 = vector.broadcast %add3A_14 : i32 to vector<16xi32>
    %add3A_16 = arith.addi %mul3A_7, %add3A_15 : vector<16xi32>
    %dma_start3A = arith.constant 0 : i32
    %dma_start3A_17 = arith.constant 0 : i32
    %dma_start3A_18 = arith.constant 0 : i32
    %dma_start3A_19 = arith.constant 0 : i32
    %dma_start3A_20 = tpu.memref_slice %arg6[%dma_start3A_17, %dma_start3A_18, %dma_start3A_19] : memref<2x416x64xf32, #tpu.memory_space<vmem>> -> memref<1x416x64xf32, #tpu.memory_space<vmem>>
    %dma_start3A_21 = tpu.memref_squeeze %dma_start3A_20 : memref<1x416x64xf32, #tpu.memory_space<vmem>> -> memref<416x64xf32, #tpu.memory_space<vmem>>
    %dma_start3A_22 = arith.constant 0 : i32
    %dma_start3A_23 = tpu.memref_slice %arg5[%dma_start3A, %dma_start3A_22] : memref<32x416xi32, #tpu.memory_space<vmem>> -> memref<1x416xi32, #tpu.memory_space<vmem>>
    %dma_start3A_24 = tpu.memref_squeeze %dma_start3A_23 : memref<1x416xi32, #tpu.memory_space<vmem>> -> memref<416xi32, #tpu.memory_space<vmem>>
    %dma_start3A_25 = arith.constant 0 : i32
    %dma_start3A_26 = arith.constant 0 : i32
    %dma_start3A_27 = tpu.memref_slice %arg3[%dma_start3A_25, %dma_start3A_26] : memref<1000000x64xf32, #tpu.memory_space<hbm>> -> memref<1000000x64xf32, #tpu.memory_space<hbm>>
    tpu.enqueue_indirect_dma source(%dma_start3A_27 : memref<1000000x64xf32, #tpu.memory_space<hbm>>) target(%dma_start3A_21 : memref<416x64xf32, #tpu.memory_space<vmem>>) offsets(%dma_start3A_24 : memref<416xi32, #tpu.memory_space<vmem>>) semaphore(%arg8 : memref<!tpu.dma_semaphore, #tpu.memory_space<semaphore_mem>>)
    %scan3A = arith.constant 0 : i32
    %scan3A_28 = arith.constant 16 : i32
    %scan3A_29 = arith.addi %scan3A, %scan3A_28 : i32
    %scan3A_30 = arith.constant 1 : i32
    scf.for %scan3A_69 = %scan3A to %scan3A_29 step %scan3A_30  : i32 {
      %mul3A_70 = arith.constant 2 : i32
      %mul3A_71 = arith.muli %scan3A_69, %mul3A_70 : i32
      %add3A_72 = arith.constant 0 : i32
      %add3A_73 = arith.addi %add3A_72, %mul3A_71 : i32
      %add3A_74 = arith.constant 0 : i32
      %add3A_75 = arith.addi %add3A_73, %add3A_74 : i32
      %add3A_76 = arith.constant 1 : i32
      %add3A_77 = arith.addi %add3A_75, %add3A_76 : i32
      %lt3A = arith.constant 32 : i32
      %lt3A_78 = arith.cmpi slt, %add3A_77, %lt3A : i32
      %convert_element_type3A = arith.extui %lt3A_78 : i1 to i32
      %cond3A = arith.constant 0 : i32
      %cond3A_79 = arith.cmpi ne, %convert_element_type3A, %cond3A : i32
      scf.if %cond3A_79 {
        %add3A_178 = arith.constant 1 : i32
        %add3A_179 = arith.addi %add3A_75, %add3A_178 : i32
        %dma_start3A_180 = arith.constant 1 : i32
        %dma_start3A_181 = arith.constant 0 : i32
        %dma_start3A_182 = arith.constant 0 : i32
        %dma_start3A_183 = tpu.memref_slice %arg6[%dma_start3A_180, %dma_start3A_181, %dma_start3A_182] : memref<2x416x64xf32, #tpu.memory_space<vmem>> -> memref<1x416x64xf32, #tpu.memory_space<vmem>>
        %dma_start3A_184 = tpu.memref_squeeze %dma_start3A_183 : memref<1x416x64xf32, #tpu.memory_space<vmem>> -> memref<416x64xf32, #tpu.memory_space<vmem>>
        %dma_start3A_185 = arith.constant 0 : i32
        %dma_start3A_186 = tpu.memref_slice %arg5[%add3A_179, %dma_start3A_185] : memref<32x416xi32, #tpu.memory_space<vmem>> -> memref<1x416xi32, #tpu.memory_space<vmem>>
        %dma_start3A_187 = tpu.memref_squeeze %dma_start3A_186 : memref<1x416xi32, #tpu.memory_space<vmem>> -> memref<416xi32, #tpu.memory_space<vmem>>
        %dma_start3A_188 = arith.constant 0 : i32
        %dma_start3A_189 = arith.constant 0 : i32
        %dma_start3A_190 = tpu.memref_slice %arg3[%dma_start3A_188, %dma_start3A_189] : memref<1000000x64xf32, #tpu.memory_space<hbm>> -> memref<1000000x64xf32, #tpu.memory_space<hbm>>
        tpu.enqueue_indirect_dma source(%dma_start3A_190 : memref<1000000x64xf32, #tpu.memory_space<hbm>>) target(%dma_start3A_184 : memref<416x64xf32, #tpu.memory_space<vmem>>) offsets(%dma_start3A_187 : memref<416xi32, #tpu.memory_space<vmem>>) semaphore(%arg9 : memref<!tpu.dma_semaphore, #tpu.memory_space<semaphore_mem>>)
      } else {
      }
      %dma_wait3A_80 = arith.constant 0 : i32
      %dma_wait3A_81 = arith.constant 0 : i32
      %dma_wait3A_82 = arith.constant 0 : i32
      %dma_wait3A_83 = tpu.memref_slice %arg6[%dma_wait3A_80, %dma_wait3A_81, %dma_wait3A_82] : memref<2x416x64xf32, #tpu.memory_space<vmem>> -> memref<1x416x64xf32, #tpu.memory_space<vmem>>
      %dma_wait3A_84 = tpu.memref_squeeze %dma_wait3A_83 : memref<1x416x64xf32, #tpu.memory_space<vmem>> -> memref<416x64xf32, #tpu.memory_space<vmem>>
      %dma_wait3A_85 = arith.constant 0 : i32
      %dma_wait3A_86 = arith.constant 0 : i32
      %dma_wait3A_87 = tpu.memref_slice %arg3[%dma_wait3A_85, %dma_wait3A_86] : memref<1000000x64xf32, #tpu.memory_space<hbm>> -> memref<416x64xf32, #tpu.memory_space<hbm>>
      %dma_wait3A_88 = arith.constant 0 : i32
      %dma_wait3A_89 = arith.constant 0 : i32
      %dma_wait3A_90 = tpu.memref_slice %arg6[%dma_wait3A_80, %dma_wait3A_88, %dma_wait3A_89] : memref<2x416x64xf32, #tpu.memory_space<vmem>> -> memref<1x416x64xf32, #tpu.memory_space<vmem>>
      %dma_wait3A_91 = tpu.memref_squeeze %dma_wait3A_90 : memref<1x416x64xf32, #tpu.memory_space<vmem>> -> memref<416x64xf32, #tpu.memory_space<vmem>>
      %dma_wait3A_92 = arith.constant 0 : i32
      %dma_wait3A_93 = arith.constant 0 : i32
      %dma_wait3A_94 = tpu.memref_slice %arg3[%dma_wait3A_92, %dma_wait3A_93] : memref<1000000x64xf32, #tpu.memory_space<hbm>> -> memref<416x64xf32, #tpu.memory_space<hbm>>
      tpu.wait_dma2 semaphore(%arg8 : memref<!tpu.dma_semaphore, #tpu.memory_space<semaphore_mem>>) src(%dma_wait3A_94 : memref<416x64xf32, #tpu.memory_space<hbm>>) dst(%dma_wait3A_91 : memref<416x64xf32, #tpu.memory_space<vmem>>)
      %ge3A = arith.constant 2 : i32
      %ge3A_95 = arith.cmpi sge, %add3A_75, %ge3A : i32
      %convert_element_type3A_96 = arith.extui %ge3A_95 : i1 to i32
      %cond3A_97 = arith.constant 0 : i32
      %cond3A_98 = arith.cmpi ne, %convert_element_type3A_96, %cond3A_97 : i32
      scf.if %cond3A_98 {
        %dma_wait3A_178 = arith.constant 0 : i32
        %dma_wait3A_179 = arith.constant 0 : i32
        %dma_wait3A_180 = arith.constant 0 : i32
        %dma_wait3A_181 = arith.constant 0 : i32
        %dma_wait3A_182 = tpu.memref_slice %arg7[%dma_wait3A_178, %dma_wait3A_179, %dma_wait3A_180, %dma_wait3A_181] : memref<2x16x26x64xbf16, #tpu.memory_space<vmem>> -> memref<1x16x26x64xbf16, #tpu.memory_space<vmem>>
        %dma_wait3A_183 = tpu.memref_squeeze %dma_wait3A_182 : memref<1x16x26x64xbf16, #tpu.memory_space<vmem>> -> memref<16x26x64xbf16, #tpu.memory_space<vmem>>
        %dma_wait3A_184 = arith.constant 0 : i32
        %dma_wait3A_185 = arith.constant 0 : i32
        %dma_wait3A_186 = arith.constant 0 : i32
        %dma_wait3A_187 = tpu.memref_slice %arg4[%dma_wait3A_184, %dma_wait3A_185, %dma_wait3A_186] : memref<16384x26x64xbf16, #tpu.memory_space<hbm>> -> memref<16x26x64xbf16, #tpu.memory_space<hbm>>
        %dma_wait3A_188 = arith.constant 0 : i32
        %dma_wait3A_189 = arith.constant 0 : i32
        %dma_wait3A_190 = arith.constant 0 : i32
        %dma_wait3A_191 = tpu.memref_slice %arg7[%dma_wait3A_178, %dma_wait3A_188, %dma_wait3A_189, %dma_wait3A_190] : memref<2x16x26x64xbf16, #tpu.memory_space<vmem>> -> memref<1x16x26x64xbf16, #tpu.memory_space<vmem>>
        %dma_wait3A_192 = tpu.memref_squeeze %dma_wait3A_191 : memref<1x16x26x64xbf16, #tpu.memory_space<vmem>> -> memref<16x26x64xbf16, #tpu.memory_space<vmem>>
        %dma_wait3A_193 = arith.constant 0 : i32
        %dma_wait3A_194 = arith.constant 0 : i32
        %dma_wait3A_195 = arith.constant 0 : i32
        %dma_wait3A_196 = tpu.memref_slice %arg4[%dma_wait3A_193, %dma_wait3A_194, %dma_wait3A_195] : memref<16384x26x64xbf16, #tpu.memory_space<hbm>> -> memref<16x26x64xbf16, #tpu.memory_space<hbm>>
        tpu.wait_dma2 semaphore(%arg10 : memref<!tpu.dma_semaphore, #tpu.memory_space<semaphore_mem>>) src(%dma_wait3A_196 : memref<16x26x64xbf16, #tpu.memory_space<hbm>>) dst(%dma_wait3A_192 : memref<16x26x64xbf16, #tpu.memory_space<vmem>>)
      } else {
      }
      %scan3A_99 = arith.constant 0 : i32
      %scan3A_100 = arith.constant 16 : i32
      %scan3A_101 = arith.addi %scan3A_99, %scan3A_100 : i32
      %scan3A_102 = arith.constant 1 : i32
      scf.for %scan3A_178 = %scan3A_99 to %scan3A_101 step %scan3A_102  : i32 {
        %mul3A_179 = arith.constant 1 : i32
        %mul3A_180 = arith.muli %scan3A_178, %mul3A_179 : i32
        %add3A_181 = arith.constant 0 : i32
        %add3A_182 = arith.addi %add3A_181, %mul3A_180 : i32
        %scan3A_183 = arith.constant 0 : i32
        %scan3A_184 = arith.constant 26 : i32
        %scan3A_185 = arith.addi %scan3A_183, %scan3A_184 : i32
        %scan3A_186 = arith.constant 2 : i32
        scf.for %scan3A_188 = %scan3A_183 to %scan3A_185 step %scan3A_186  : i32 {
          %mul3A_189 = arith.constant 1 : i32
          %mul3A_190 = arith.muli %scan3A_188, %mul3A_189 : i32
          %add3A_191 = arith.constant 0 : i32
          %add3A_192 = arith.addi %add3A_191, %mul3A_190 : i32
          %mul3A_193 = arith.constant 26 : i32
          %mul3A_194 = arith.muli %add3A_182, %mul3A_193 : i32
          %add3A_195 = arith.addi %mul3A_194, %add3A_192 : i32
          %broadcast_in_dim3A = vector.broadcast %add3A_195 : i32 to vector<16xi32>
          %gather3A = arith.constant 0 : i32
          %gather3A_196 = arith.constant 0 : i32
          %gather3A_197 = arith.constant 0 : i32
          %gather3A_198 = tpu.memref_slice %arg6[%gather3A, %gather3A_196, %gather3A_197] : memref<2x416x64xf32, #tpu.memory_space<vmem>> -> memref<1x416x64xf32, #tpu.memory_space<vmem>>
          %gather3A_199 = tpu.memref_squeeze %gather3A_198 : memref<1x416x64xf32, #tpu.memory_space<vmem>> -> memref<416x64xf32, #tpu.memory_space<vmem>>
          %gather3A_200 = tpu.vector_load_idx %gather3A_199[%broadcast_in_dim3A, %mul3A_7] : memref<416x64xf32, #tpu.memory_space<vmem>>[vector<16xi32>, vector<16xi32>], vector<16xf32>,
          %gather3A_201 = arith.constant 0 : i32
          %gather3A_202 = arith.constant 0 : i32
          %gather3A_203 = arith.constant 0 : i32
          %gather3A_204 = tpu.memref_slice %arg6[%gather3A_201, %gather3A_202, %gather3A_203] : memref<2x416x64xf32, #tpu.memory_space<vmem>> -> memref<1x416x64xf32, #tpu.memory_space<vmem>>
          %gather3A_205 = tpu.memref_squeeze %gather3A_204 : memref<1x416x64xf32, #tpu.memory_space<vmem>> -> memref<416x64xf32, #tpu.memory_space<vmem>>
          %gather3A_206 = tpu.vector_load_idx %gather3A_205[%broadcast_in_dim3A, %add3A_10] : memref<416x64xf32, #tpu.memory_space<vmem>>[vector<16xi32>, vector<16xi32>], vector<16xf32>,
          %pack3A = tpu.pack_subelements %gather3A_200, %gather3A_206 {pack_format = #tpu.pack_format<interleaved>, positions = array<i32: 0, 1>} : vector<16xf32>, vector<16xf32> -> vector<32xbf16>
          %swap3A = arith.constant 0 : i32
          %swap3A_207 = arith.index_cast %swap3A : i32 to index
          %swap3A_208 = arith.index_cast %add3A_182 : i32 to index
          %swap3A_209 = arith.index_cast %add3A_192 : i32 to index
          %swap3A_210 = arith.constant 0 : index
          %swap3A_211 = tpu.vector_load %arg7[%swap3A_207, %swap3A_208, %swap3A_209, %swap3A_210] {strides = array<i32>} : memref<2x16x26x64xbf16, #tpu.memory_space<vmem>>, vector<32xbf16>,
          tpu.vector_store %arg7[%swap3A_207, %swap3A_208, %swap3A_209, %swap3A_210], %pack3A {strides = array<i32>} : memref<2x16x26x64xbf16, #tpu.memory_space<vmem>>, vector<32xbf16>,
          %gather3A_212 = arith.constant 0 : i32
          %gather3A_213 = arith.constant 0 : i32
          %gather3A_214 = arith.constant 0 : i32
          %gather3A_215 = tpu.memref_slice %arg6[%gather3A_212, %gather3A_213, %gather3A_214] : memref<2x416x64xf32, #tpu.memory_space<vmem>> -> memref<1x416x64xf32, #tpu.memory_space<vmem>>
          %gather3A_216 = tpu.memref_squeeze %gather3A_215 : memref<1x416x64xf32, #tpu.memory_space<vmem>> -> memref<416x64xf32, #tpu.memory_space<vmem>>
          %gather3A_217 = tpu.vector_load_idx %gather3A_216[%broadcast_in_dim3A, %add3A_13] : memref<416x64xf32, #tpu.memory_space<vmem>>[vector<16xi32>, vector<16xi32>], vector<16xf32>,
          %gather3A_218 = arith.constant 0 : i32
          %gather3A_219 = arith.constant 0 : i32
          %gather3A_220 = arith.constant 0 : i32
          %gather3A_221 = tpu.memref_slice %arg6[%gather3A_218, %gather3A_219, %gather3A_220] : memref<2x416x64xf32, #tpu.memory_space<vmem>> -> memref<1x416x64xf32, #tpu.memory_space<vmem>>
          %gather3A_222 = tpu.memref_squeeze %gather3A_221 : memref<1x416x64xf32, #tpu.memory_space<vmem>> -> memref<416x64xf32, #tpu.memory_space<vmem>>
          %gather3A_223 = tpu.vector_load_idx %gather3A_222[%broadcast_in_dim3A, %add3A_16] : memref<416x64xf32, #tpu.memory_space<vmem>>[vector<16xi32>, vector<16xi32>], vector<16xf32>,
          %pack3A_224 = tpu.pack_subelements %gather3A_217, %gather3A_223 {pack_format = #tpu.pack_format<interleaved>, positions = array<i32: 0, 1>} : vector<16xf32>, vector<16xf32> -> vector<32xbf16>
          %swap3A_225 = arith.constant 0 : i32
          %swap3A_226 = arith.index_cast %swap3A_225 : i32 to index
          %swap3A_227 = arith.index_cast %add3A_182 : i32 to index
          %swap3A_228 = arith.index_cast %add3A_192 : i32 to index
          %swap3A_229 = arith.constant 32 : index
          %swap3A_230 = tpu.vector_load %arg7[%swap3A_226, %swap3A_227, %swap3A_228, %swap3A_229] {strides = array<i32>} : memref<2x16x26x64xbf16, #tpu.memory_space<vmem>>, vector<32xbf16>,
          tpu.vector_store %arg7[%swap3A_226, %swap3A_227, %swap3A_228, %swap3A_229], %pack3A_224 {strides = array<i32>} : memref<2x16x26x64xbf16, #tpu.memory_space<vmem>>, vector<32xbf16>,
          %scan3A_231 = arith.constant 1 : i32
          %scan3A_232 = arith.addi %scan3A_188, %scan3A_231 : i32
          %mul3A_233 = arith.constant 1 : i32
          %mul3A_234 = arith.muli %scan3A_232, %mul3A_233 : i32
          %add3A_235 = arith.constant 0 : i32
          %add3A_236 = arith.addi %add3A_235, %mul3A_234 : i32
          %mul3A_237 = arith.constant 26 : i32
          %mul3A_238 = arith.muli %add3A_182, %mul3A_237 : i32
          %add3A_239 = arith.addi %mul3A_238, %add3A_236 : i32
          %broadcast_in_dim3A_240 = vector.broadcast %add3A_239 : i32 to vector<16xi32>
          %gather3A_241 = arith.constant 0 : i32
          %gather3A_242 = arith.constant 0 : i32
          %gather3A_243 = arith.constant 0 : i32
          %gather3A_244 = tpu.memref_slice %arg6[%gather3A_241, %gather3A_242, %gather3A_243] : memref<2x416x64xf32, #tpu.memory_space<vmem>> -> memref<1x416x64xf32, #tpu.memory_space<vmem>>
          %gather3A_245 = tpu.memref_squeeze %gather3A_244 : memref<1x416x64xf32, #tpu.memory_space<vmem>> -> memref<416x64xf32, #tpu.memory_space<vmem>>
          %gather3A_246 = tpu.vector_load_idx %gather3A_245[%broadcast_in_dim3A_240, %mul3A_7] : memref<416x64xf32, #tpu.memory_space<vmem>>[vector<16xi32>, vector<16xi32>], vector<16xf32>,
          %gather3A_247 = arith.constant 0 : i32
          %gather3A_248 = arith.constant 0 : i32
          %gather3A_249 = arith.constant 0 : i32
          %gather3A_250 = tpu.memref_slice %arg6[%gather3A_247, %gather3A_248, %gather3A_249] : memref<2x416x64xf32, #tpu.memory_space<vmem>> -> memref<1x416x64xf32, #tpu.memory_space<vmem>>
          %gather3A_251 = tpu.memref_squeeze %gather3A_250 : memref<1x416x64xf32, #tpu.memory_space<vmem>> -> memref<416x64xf32, #tpu.memory_space<vmem>>
          %gather3A_252 = tpu.vector_load_idx %gather3A_251[%broadcast_in_dim3A_240, %add3A_10] : memref<416x64xf32, #tpu.memory_space<vmem>>[vector<16xi32>, vector<16xi32>], vector<16xf32>,
          %pack3A_253 = tpu.pack_subelements %gather3A_246, %gather3A_252 {pack_format = #tpu.pack_format<interleaved>, positions = array<i32: 0, 1>} : vector<16xf32>, vector<16xf32> -> vector<32xbf16>
          %swap3A_254 = arith.constant 0 : i32
          %swap3A_255 = arith.index_cast %swap3A_254 : i32 to index
          %swap3A_256 = arith.index_cast %add3A_182 : i32 to index
          %swap3A_257 = arith.index_cast %add3A_236 : i32 to index
          %swap3A_258 = arith.constant 0 : index
          %swap3A_259 = tpu.vector_load %arg7[%swap3A_255, %swap3A_256, %swap3A_257, %swap3A_258] {strides = array<i32>} : memref<2x16x26x64xbf16, #tpu.memory_space<vmem>>, vector<32xbf16>,
          tpu.vector_store %arg7[%swap3A_255, %swap3A_256, %swap3A_257, %swap3A_258], %pack3A_253 {strides = array<i32>} : memref<2x16x26x64xbf16, #tpu.memory_space<vmem>>, vector<32xbf16>,
          %gather3A_260 = arith.constant 0 : i32
          %gather3A_261 = arith.constant 0 : i32
          %gather3A_262 = arith.constant 0 : i32
          %gather3A_263 = tpu.memref_slice %arg6[%gather3A_260, %gather3A_261, %gather3A_262] : memref<2x416x64xf32, #tpu.memory_space<vmem>> -> memref<1x416x64xf32, #tpu.memory_space<vmem>>
          %gather3A_264 = tpu.memref_squeeze %gather3A_263 : memref<1x416x64xf32, #tpu.memory_space<vmem>> -> memref<416x64xf32, #tpu.memory_space<vmem>>
          %gather3A_265 = tpu.vector_load_idx %gather3A_264[%broadcast_in_dim3A_240, %add3A_13] : memref<416x64xf32, #tpu.memory_space<vmem>>[vector<16xi32>, vector<16xi32>], vector<16xf32>,
          %gather3A_266 = arith.constant 0 : i32
          %gather3A_267 = arith.constant 0 : i32
          %gather3A_268 = arith.constant 0 : i32
          %gather3A_269 = tpu.memref_slice %arg6[%gather3A_266, %gather3A_267, %gather3A_268] : memref<2x416x64xf32, #tpu.memory_space<vmem>> -> memref<1x416x64xf32, #tpu.memory_space<vmem>>
          %gather3A_270 = tpu.memref_squeeze %gather3A_269 : memref<1x416x64xf32, #tpu.memory_space<vmem>> -> memref<416x64xf32, #tpu.memory_space<vmem>>
          %gather3A_271 = tpu.vector_load_idx %gather3A_270[%broadcast_in_dim3A_240, %add3A_16] : memref<416x64xf32, #tpu.memory_space<vmem>>[vector<16xi32>, vector<16xi32>], vector<16xf32>,
          %pack3A_272 = tpu.pack_subelements %gather3A_265, %gather3A_271 {pack_format = #tpu.pack_format<interleaved>, positions = array<i32: 0, 1>} : vector<16xf32>, vector<16xf32> -> vector<32xbf16>
          %swap3A_273 = arith.constant 0 : i32
          %swap3A_274 = arith.index_cast %swap3A_273 : i32 to index
          %swap3A_275 = arith.index_cast %add3A_182 : i32 to index
          %swap3A_276 = arith.index_cast %add3A_236 : i32 to index
          %swap3A_277 = arith.constant 32 : index
          %swap3A_278 = tpu.vector_load %arg7[%swap3A_274, %swap3A_275, %swap3A_276, %swap3A_277] {strides = array<i32>} : memref<2x16x26x64xbf16, #tpu.memory_space<vmem>>, vector<32xbf16>,
          tpu.vector_store %arg7[%swap3A_274, %swap3A_275, %swap3A_276, %swap3A_277], %pack3A_272 {strides = array<i32>} : memref<2x16x26x64xbf16, #tpu.memory_space<vmem>>, vector<32xbf16>,
        }
        %scan3A_187 = arith.constant 26 : i32
      }
      %scan3A_103 = arith.constant 16 : i32
      %mul3A_104 = arith.constant 16 : i32
      %mul3A_105 = arith.muli %add3A_75, %mul3A_104 : i32
      %add3A_106 = arith.addi %mul3A_2, %mul3A_105 : i32
      %dma_start3A_107 = arith.constant 0 : i32
      %dma_start3A_108 = arith.constant 0 : i32
      %dma_start3A_109 = arith.constant 0 : i32
      %dma_start3A_110 = arith.constant 0 : i32
      %dma_start3A_111 = tpu.memref_slice %arg7[%dma_start3A_107, %dma_start3A_108, %dma_start3A_109, %dma_start3A_110] : memref<2x16x26x64xbf16, #tpu.memory_space<vmem>> -> memref<1x16x26x64xbf16, #tpu.memory_space<vmem>>
      %dma_start3A_112 = tpu.memref_squeeze %dma_start3A_111 : memref<1x16x26x64xbf16, #tpu.memory_space<vmem>> -> memref<16x26x64xbf16, #tpu.memory_space<vmem>>
      %dma_start3A_113 = arith.constant 0 : i32
      %dma_start3A_114 = arith.constant 0 : i32
      %dma_start3A_115 = tpu.memref_slice %arg4[%add3A_106, %dma_start3A_113, %dma_start3A_114] : memref<16384x26x64xbf16, #tpu.memory_space<hbm>> -> memref<16x26x64xbf16, #tpu.memory_space<hbm>>
      %dma_start3A_116 = arith.constant 0 : i32
      %dma_start3A_117 = arith.constant 0 : i32
      %dma_start3A_118 = tpu.memref_slice %arg4[%add3A_106, %dma_start3A_116, %dma_start3A_117] : memref<16384x26x64xbf16, #tpu.memory_space<hbm>> -> memref<16x26x64xbf16, #tpu.memory_space<hbm>>
      %dma_start3A_119 = arith.constant 0 : i32
      %dma_start3A_120 = arith.constant 0 : i32
      %dma_start3A_121 = arith.constant 0 : i32
      %dma_start3A_122 = tpu.memref_slice %arg7[%dma_start3A_107, %dma_start3A_119, %dma_start3A_120, %dma_start3A_121] : memref<2x16x26x64xbf16, #tpu.memory_space<vmem>> -> memref<1x16x26x64xbf16, #tpu.memory_space<vmem>>
      %dma_start3A_123 = tpu.memref_squeeze %dma_start3A_122 : memref<1x16x26x64xbf16, #tpu.memory_space<vmem>> -> memref<16x26x64xbf16, #tpu.memory_space<vmem>>
      tpu.enqueue_dma source(%dma_start3A_123 : memref<16x26x64xbf16, #tpu.memory_space<vmem>>) target(%dma_start3A_118 : memref<16x26x64xbf16, #tpu.memory_space<hbm>>) target_semaphore(%arg10 : memref<!tpu.dma_semaphore, #tpu.memory_space<semaphore_mem>>)
      %add3A_124 = arith.constant 1 : i32
      %add3A_125 = arith.addi %add3A_73, %add3A_124 : i32
      %add3A_126 = arith.constant 1 : i32
      %add3A_127 = arith.addi %add3A_125, %add3A_126 : i32
      %lt3A_128 = arith.constant 32 : i32
      %lt3A_129 = arith.cmpi slt, %add3A_127, %lt3A_128 : i32
      %convert_element_type3A_130 = arith.extui %lt3A_129 : i1 to i32
      %cond3A_131 = arith.constant 0 : i32
      %cond3A_132 = arith.cmpi ne, %convert_element_type3A_130, %cond3A_131 : i32
      scf.if %cond3A_132 {
        %add3A_178 = arith.constant 1 : i32
        %add3A_179 = arith.addi %add3A_125, %add3A_178 : i32
        %dma_start3A_180 = arith.constant 0 : i32
        %dma_start3A_181 = arith.constant 0 : i32
        %dma_start3A_182 = arith.constant 0 : i32
        %dma_start3A_183 = tpu.memref_slice %arg6[%dma_start3A_180, %dma_start3A_181, %dma_start3A_182] : memref<2x416x64xf32, #tpu.memory_space<vmem>> -> memref<1x416x64xf32, #tpu.memory_space<vmem>>
        %dma_start3A_184 = tpu.memref_squeeze %dma_start3A_183 : memref<1x416x64xf32, #tpu.memory_space<vmem>> -> memref<416x64xf32, #tpu.memory_space<vmem>>
        %dma_start3A_185 = arith.constant 0 : i32
        %dma_start3A_186 = tpu.memref_slice %arg5[%add3A_179, %dma_start3A_185] : memref<32x416xi32, #tpu.memory_space<vmem>> -> memref<1x416xi32, #tpu.memory_space<vmem>>
        %dma_start3A_187 = tpu.memref_squeeze %dma_start3A_186 : memref<1x416xi32, #tpu.memory_space<vmem>> -> memref<416xi32, #tpu.memory_space<vmem>>
        %dma_start3A_188 = arith.constant 0 : i32
        %dma_start3A_189 = arith.constant 0 : i32
        %dma_start3A_190 = tpu.memref_slice %arg3[%dma_start3A_188, %dma_start3A_189] : memref<1000000x64xf32, #tpu.memory_space<hbm>> -> memref<1000000x64xf32, #tpu.memory_space<hbm>>
        tpu.enqueue_indirect_dma source(%dma_start3A_190 : memref<1000000x64xf32, #tpu.memory_space<hbm>>) target(%dma_start3A_184 : memref<416x64xf32, #tpu.memory_space<vmem>>) offsets(%dma_start3A_187 : memref<416xi32, #tpu.memory_space<vmem>>) semaphore(%arg8 : memref<!tpu.dma_semaphore, #tpu.memory_space<semaphore_mem>>)
      } else {
      }
      %dma_wait3A_133 = arith.constant 1 : i32
      %dma_wait3A_134 = arith.constant 0 : i32
      %dma_wait3A_135 = arith.constant 0 : i32
      %dma_wait3A_136 = tpu.memref_slice %arg6[%dma_wait3A_133, %dma_wait3A_134, %dma_wait3A_135] : memref<2x416x64xf32, #tpu.memory_space<vmem>> -> memref<1x416x64xf32, #tpu.memory_space<vmem>>
      %dma_wait3A_137 = tpu.memref_squeeze %dma_wait3A_136 : memref<1x416x64xf32, #tpu.memory_space<vmem>> -> memref<416x64xf32, #tpu.memory_space<vmem>>
      %dma_wait3A_138 = arith.constant 0 : i32
      %dma_wait3A_139 = arith.constant 0 : i32
      %dma_wait3A_140 = tpu.memref_slice %arg3[%dma_wait3A_138, %dma_wait3A_139] : memref<1000000x64xf32, #tpu.memory_space<hbm>> -> memref<416x64xf32, #tpu.memory_space<hbm>>
      %dma_wait3A_141 = arith.constant 0 : i32
      %dma_wait3A_142 = arith.constant 0 : i32
      %dma_wait3A_143 = tpu.memref_slice %arg6[%dma_wait3A_133, %dma_wait3A_141, %dma_wait3A_142] : memref<2x416x64xf32, #tpu.memory_space<vmem>> -> memref<1x416x64xf32, #tpu.memory_space<vmem>>
      %dma_wait3A_144 = tpu.memref_squeeze %dma_wait3A_143 : memref<1x416x64xf32, #tpu.memory_space<vmem>> -> memref<416x64xf32, #tpu.memory_space<vmem>>
      %dma_wait3A_145 = arith.constant 0 : i32
      %dma_wait3A_146 = arith.constant 0 : i32
      %dma_wait3A_147 = tpu.memref_slice %arg3[%dma_wait3A_145, %dma_wait3A_146] : memref<1000000x64xf32, #tpu.memory_space<hbm>> -> memref<416x64xf32, #tpu.memory_space<hbm>>
      tpu.wait_dma2 semaphore(%arg9 : memref<!tpu.dma_semaphore, #tpu.memory_space<semaphore_mem>>) src(%dma_wait3A_147 : memref<416x64xf32, #tpu.memory_space<hbm>>) dst(%dma_wait3A_144 : memref<416x64xf32, #tpu.memory_space<vmem>>)
      %ge3A_148 = arith.constant 2 : i32
      %ge3A_149 = arith.cmpi sge, %add3A_125, %ge3A_148 : i32
      %convert_element_type3A_150 = arith.extui %ge3A_149 : i1 to i32
      %cond3A_151 = arith.constant 0 : i32
      %cond3A_152 = arith.cmpi ne, %convert_element_type3A_150, %cond3A_151 : i32
      scf.if %cond3A_152 {
        %dma_wait3A_178 = arith.constant 1 : i32
        %dma_wait3A_179 = arith.constant 0 : i32
        %dma_wait3A_180 = arith.constant 0 : i32
        %dma_wait3A_181 = arith.constant 0 : i32
        %dma_wait3A_182 = tpu.memref_slice %arg7[%dma_wait3A_178, %dma_wait3A_179, %dma_wait3A_180, %dma_wait3A_181] : memref<2x16x26x64xbf16, #tpu.memory_space<vmem>> -> memref<1x16x26x64xbf16, #tpu.memory_space<vmem>>
        %dma_wait3A_183 = tpu.memref_squeeze %dma_wait3A_182 : memref<1x16x26x64xbf16, #tpu.memory_space<vmem>> -> memref<16x26x64xbf16, #tpu.memory_space<vmem>>
        %dma_wait3A_184 = arith.constant 0 : i32
        %dma_wait3A_185 = arith.constant 0 : i32
        %dma_wait3A_186 = arith.constant 0 : i32
        %dma_wait3A_187 = tpu.memref_slice %arg4[%dma_wait3A_184, %dma_wait3A_185, %dma_wait3A_186] : memref<16384x26x64xbf16, #tpu.memory_space<hbm>> -> memref<16x26x64xbf16, #tpu.memory_space<hbm>>
        %dma_wait3A_188 = arith.constant 0 : i32
        %dma_wait3A_189 = arith.constant 0 : i32
        %dma_wait3A_190 = arith.constant 0 : i32
        %dma_wait3A_191 = tpu.memref_slice %arg7[%dma_wait3A_178, %dma_wait3A_188, %dma_wait3A_189, %dma_wait3A_190] : memref<2x16x26x64xbf16, #tpu.memory_space<vmem>> -> memref<1x16x26x64xbf16, #tpu.memory_space<vmem>>
        %dma_wait3A_192 = tpu.memref_squeeze %dma_wait3A_191 : memref<1x16x26x64xbf16, #tpu.memory_space<vmem>> -> memref<16x26x64xbf16, #tpu.memory_space<vmem>>
        %dma_wait3A_193 = arith.constant 0 : i32
        %dma_wait3A_194 = arith.constant 0 : i32
        %dma_wait3A_195 = arith.constant 0 : i32
        %dma_wait3A_196 = tpu.memref_slice %arg4[%dma_wait3A_193, %dma_wait3A_194, %dma_wait3A_195] : memref<16384x26x64xbf16, #tpu.memory_space<hbm>> -> memref<16x26x64xbf16, #tpu.memory_space<hbm>>
        tpu.wait_dma2 semaphore(%arg11 : memref<!tpu.dma_semaphore, #tpu.memory_space<semaphore_mem>>) src(%dma_wait3A_196 : memref<16x26x64xbf16, #tpu.memory_space<hbm>>) dst(%dma_wait3A_192 : memref<16x26x64xbf16, #tpu.memory_space<vmem>>)
      } else {
      }
      %scan3A_153 = arith.constant 0 : i32
      %scan3A_154 = arith.constant 16 : i32
      %scan3A_155 = arith.addi %scan3A_153, %scan3A_154 : i32
      %scan3A_156 = arith.constant 1 : i32
      scf.for %scan3A_178 = %scan3A_153 to %scan3A_155 step %scan3A_156  : i32 {
        %mul3A_179 = arith.constant 1 : i32
        %mul3A_180 = arith.muli %scan3A_178, %mul3A_179 : i32
        %add3A_181 = arith.constant 0 : i32
        %add3A_182 = arith.addi %add3A_181, %mul3A_180 : i32
        %scan3A_183 = arith.constant 0 : i32
        %scan3A_184 = arith.constant 26 : i32
        %scan3A_185 = arith.addi %scan3A_183, %scan3A_184 : i32
        %scan3A_186 = arith.constant 2 : i32
        scf.for %scan3A_188 = %scan3A_183 to %scan3A_185 step %scan3A_186  : i32 {
          %mul3A_189 = arith.constant 1 : i32
          %mul3A_190 = arith.muli %scan3A_188, %mul3A_189 : i32
          %add3A_191 = arith.constant 0 : i32
          %add3A_192 = arith.addi %add3A_191, %mul3A_190 : i32
          %mul3A_193 = arith.constant 26 : i32
          %mul3A_194 = arith.muli %add3A_182, %mul3A_193 : i32
          %add3A_195 = arith.addi %mul3A_194, %add3A_192 : i32
          %broadcast_in_dim3A = vector.broadcast %add3A_195 : i32 to vector<16xi32>
          %gather3A = arith.constant 1 : i32
          %gather3A_196 = arith.constant 0 : i32
          %gather3A_197 = arith.constant 0 : i32
          %gather3A_198 = tpu.memref_slice %arg6[%gather3A, %gather3A_196, %gather3A_197] : memref<2x416x64xf32, #tpu.memory_space<vmem>> -> memref<1x416x64xf32, #tpu.memory_space<vmem>>
          %gather3A_199 = tpu.memref_squeeze %gather3A_198 : memref<1x416x64xf32, #tpu.memory_space<vmem>> -> memref<416x64xf32, #tpu.memory_space<vmem>>
          %gather3A_200 = tpu.vector_load_idx %gather3A_199[%broadcast_in_dim3A, %mul3A_7] : memref<416x64xf32, #tpu.memory_space<vmem>>[vector<16xi32>, vector<16xi32>], vector<16xf32>,
          %gather3A_201 = arith.constant 1 : i32
          %gather3A_202 = arith.constant 0 : i32
          %gather3A_203 = arith.constant 0 : i32
          %gather3A_204 = tpu.memref_slice %arg6[%gather3A_201, %gather3A_202, %gather3A_203] : memref<2x416x64xf32, #tpu.memory_space<vmem>> -> memref<1x416x64xf32, #tpu.memory_space<vmem>>
          %gather3A_205 = tpu.memref_squeeze %gather3A_204 : memref<1x416x64xf32, #tpu.memory_space<vmem>> -> memref<416x64xf32, #tpu.memory_space<vmem>>
          %gather3A_206 = tpu.vector_load_idx %gather3A_205[%broadcast_in_dim3A, %add3A_10] : memref<416x64xf32, #tpu.memory_space<vmem>>[vector<16xi32>, vector<16xi32>], vector<16xf32>,
          %pack3A = tpu.pack_subelements %gather3A_200, %gather3A_206 {pack_format = #tpu.pack_format<interleaved>, positions = array<i32: 0, 1>} : vector<16xf32>, vector<16xf32> -> vector<32xbf16>
          %swap3A = arith.constant 1 : i32
          %swap3A_207 = arith.index_cast %swap3A : i32 to index
          %swap3A_208 = arith.index_cast %add3A_182 : i32 to index
          %swap3A_209 = arith.index_cast %add3A_192 : i32 to index
          %swap3A_210 = arith.constant 0 : index
          %swap3A_211 = tpu.vector_load %arg7[%swap3A_207, %swap3A_208, %swap3A_209, %swap3A_210] {strides = array<i32>} : memref<2x16x26x64xbf16, #tpu.memory_space<vmem>>, vector<32xbf16>,
          tpu.vector_store %arg7[%swap3A_207, %swap3A_208, %swap3A_209, %swap3A_210], %pack3A {strides = array<i32>} : memref<2x16x26x64xbf16, #tpu.memory_space<vmem>>, vector<32xbf16>,
          %gather3A_212 = arith.constant 1 : i32
          %gather3A_213 = arith.constant 0 : i32
          %gather3A_214 = arith.constant 0 : i32
          %gather3A_215 = tpu.memref_slice %arg6[%gather3A_212, %gather3A_213, %gather3A_214] : memref<2x416x64xf32, #tpu.memory_space<vmem>> -> memref<1x416x64xf32, #tpu.memory_space<vmem>>
          %gather3A_216 = tpu.memref_squeeze %gather3A_215 : memref<1x416x64xf32, #tpu.memory_space<vmem>> -> memref<416x64xf32, #tpu.memory_space<vmem>>
          %gather3A_217 = tpu.vector_load_idx %gather3A_216[%broadcast_in_dim3A, %add3A_13] : memref<416x64xf32, #tpu.memory_space<vmem>>[vector<16xi32>, vector<16xi32>], vector<16xf32>,
          %gather3A_218 = arith.constant 1 : i32
          %gather3A_219 = arith.constant 0 : i32
          %gather3A_220 = arith.constant 0 : i32
          %gather3A_221 = tpu.memref_slice %arg6[%gather3A_218, %gather3A_219, %gather3A_220] : memref<2x416x64xf32, #tpu.memory_space<vmem>> -> memref<1x416x64xf32, #tpu.memory_space<vmem>>
          %gather3A_222 = tpu.memref_squeeze %gather3A_221 : memref<1x416x64xf32, #tpu.memory_space<vmem>> -> memref<416x64xf32, #tpu.memory_space<vmem>>
          %gather3A_223 = tpu.vector_load_idx %gather3A_222[%broadcast_in_dim3A, %add3A_16] : memref<416x64xf32, #tpu.memory_space<vmem>>[vector<16xi32>, vector<16xi32>], vector<16xf32>,
          %pack3A_224 = tpu.pack_subelements %gather3A_217, %gather3A_223 {pack_format = #tpu.pack_format<interleaved>, positions = array<i32: 0, 1>} : vector<16xf32>, vector<16xf32> -> vector<32xbf16>
          %swap3A_225 = arith.constant 1 : i32
          %swap3A_226 = arith.index_cast %swap3A_225 : i32 to index
          %swap3A_227 = arith.index_cast %add3A_182 : i32 to index
          %swap3A_228 = arith.index_cast %add3A_192 : i32 to index
          %swap3A_229 = arith.constant 32 : index
          %swap3A_230 = tpu.vector_load %arg7[%swap3A_226, %swap3A_227, %swap3A_228, %swap3A_229] {strides = array<i32>} : memref<2x16x26x64xbf16, #tpu.memory_space<vmem>>, vector<32xbf16>,
          tpu.vector_store %arg7[%swap3A_226, %swap3A_227, %swap3A_228, %swap3A_229], %pack3A_224 {strides = array<i32>} : memref<2x16x26x64xbf16, #tpu.memory_space<vmem>>, vector<32xbf16>,
          %scan3A_231 = arith.constant 1 : i32
          %scan3A_232 = arith.addi %scan3A_188, %scan3A_231 : i32
          %mul3A_233 = arith.constant 1 : i32
          %mul3A_234 = arith.muli %scan3A_232, %mul3A_233 : i32
          %add3A_235 = arith.constant 0 : i32
          %add3A_236 = arith.addi %add3A_235, %mul3A_234 : i32
          %mul3A_237 = arith.constant 26 : i32
          %mul3A_238 = arith.muli %add3A_182, %mul3A_237 : i32
          %add3A_239 = arith.addi %mul3A_238, %add3A_236 : i32
          %broadcast_in_dim3A_240 = vector.broadcast %add3A_239 : i32 to vector<16xi32>
          %gather3A_241 = arith.constant 1 : i32
          %gather3A_242 = arith.constant 0 : i32
          %gather3A_243 = arith.constant 0 : i32
          %gather3A_244 = tpu.memref_slice %arg6[%gather3A_241, %gather3A_242, %gather3A_243] : memref<2x416x64xf32, #tpu.memory_space<vmem>> -> memref<1x416x64xf32, #tpu.memory_space<vmem>>
          %gather3A_245 = tpu.memref_squeeze %gather3A_244 : memref<1x416x64xf32, #tpu.memory_space<vmem>> -> memref<416x64xf32, #tpu.memory_space<vmem>>
          %gather3A_246 = tpu.vector_load_idx %gather3A_245[%broadcast_in_dim3A_240, %mul3A_7] : memref<416x64xf32, #tpu.memory_space<vmem>>[vector<16xi32>, vector<16xi32>], vector<16xf32>,
          %gather3A_247 = arith.constant 1 : i32
          %gather3A_248 = arith.constant 0 : i32
          %gather3A_249 = arith.constant 0 : i32
          %gather3A_250 = tpu.memref_slice %arg6[%gather3A_247, %gather3A_248, %gather3A_249] : memref<2x416x64xf32, #tpu.memory_space<vmem>> -> memref<1x416x64xf32, #tpu.memory_space<vmem>>
          %gather3A_251 = tpu.memref_squeeze %gather3A_250 : memref<1x416x64xf32, #tpu.memory_space<vmem>> -> memref<416x64xf32, #tpu.memory_space<vmem>>
          %gather3A_252 = tpu.vector_load_idx %gather3A_251[%broadcast_in_dim3A_240, %add3A_10] : memref<416x64xf32, #tpu.memory_space<vmem>>[vector<16xi32>, vector<16xi32>], vector<16xf32>,
          %pack3A_253 = tpu.pack_subelements %gather3A_246, %gather3A_252 {pack_format = #tpu.pack_format<interleaved>, positions = array<i32: 0, 1>} : vector<16xf32>, vector<16xf32> -> vector<32xbf16>
          %swap3A_254 = arith.constant 1 : i32
          %swap3A_255 = arith.index_cast %swap3A_254 : i32 to index
          %swap3A_256 = arith.index_cast %add3A_182 : i32 to index
          %swap3A_257 = arith.index_cast %add3A_236 : i32 to index
          %swap3A_258 = arith.constant 0 : index
          %swap3A_259 = tpu.vector_load %arg7[%swap3A_255, %swap3A_256, %swap3A_257, %swap3A_258] {strides = array<i32>} : memref<2x16x26x64xbf16, #tpu.memory_space<vmem>>, vector<32xbf16>,
          tpu.vector_store %arg7[%swap3A_255, %swap3A_256, %swap3A_257, %swap3A_258], %pack3A_253 {strides = array<i32>} : memref<2x16x26x64xbf16, #tpu.memory_space<vmem>>, vector<32xbf16>,
          %gather3A_260 = arith.constant 1 : i32
          %gather3A_261 = arith.constant 0 : i32
          %gather3A_262 = arith.constant 0 : i32
          %gather3A_263 = tpu.memref_slice %arg6[%gather3A_260, %gather3A_261, %gather3A_262] : memref<2x416x64xf32, #tpu.memory_space<vmem>> -> memref<1x416x64xf32, #tpu.memory_space<vmem>>
          %gather3A_264 = tpu.memref_squeeze %gather3A_263 : memref<1x416x64xf32, #tpu.memory_space<vmem>> -> memref<416x64xf32, #tpu.memory_space<vmem>>
          %gather3A_265 = tpu.vector_load_idx %gather3A_264[%broadcast_in_dim3A_240, %add3A_13] : memref<416x64xf32, #tpu.memory_space<vmem>>[vector<16xi32>, vector<16xi32>], vector<16xf32>,
          %gather3A_266 = arith.constant 1 : i32
          %gather3A_267 = arith.constant 0 : i32
          %gather3A_268 = arith.constant 0 : i32
          %gather3A_269 = tpu.memref_slice %arg6[%gather3A_266, %gather3A_267, %gather3A_268] : memref<2x416x64xf32, #tpu.memory_space<vmem>> -> memref<1x416x64xf32, #tpu.memory_space<vmem>>
          %gather3A_270 = tpu.memref_squeeze %gather3A_269 : memref<1x416x64xf32, #tpu.memory_space<vmem>> -> memref<416x64xf32, #tpu.memory_space<vmem>>
          %gather3A_271 = tpu.vector_load_idx %gather3A_270[%broadcast_in_dim3A_240, %add3A_16] : memref<416x64xf32, #tpu.memory_space<vmem>>[vector<16xi32>, vector<16xi32>], vector<16xf32>,
          %pack3A_272 = tpu.pack_subelements %gather3A_265, %gather3A_271 {pack_format = #tpu.pack_format<interleaved>, positions = array<i32: 0, 1>} : vector<16xf32>, vector<16xf32> -> vector<32xbf16>
          %swap3A_273 = arith.constant 1 : i32
          %swap3A_274 = arith.index_cast %swap3A_273 : i32 to index
          %swap3A_275 = arith.index_cast %add3A_182 : i32 to index
          %swap3A_276 = arith.index_cast %add3A_236 : i32 to index
          %swap3A_277 = arith.constant 32 : index
          %swap3A_278 = tpu.vector_load %arg7[%swap3A_274, %swap3A_275, %swap3A_276, %swap3A_277] {strides = array<i32>} : memref<2x16x26x64xbf16, #tpu.memory_space<vmem>>, vector<32xbf16>,
          tpu.vector_store %arg7[%swap3A_274, %swap3A_275, %swap3A_276, %swap3A_277], %pack3A_272 {strides = array<i32>} : memref<2x16x26x64xbf16, #tpu.memory_space<vmem>>, vector<32xbf16>,
        }
        %scan3A_187 = arith.constant 26 : i32
      }
      %scan3A_157 = arith.constant 16 : i32
      %mul3A_158 = arith.constant 16 : i32
      %mul3A_159 = arith.muli %add3A_125, %mul3A_158 : i32
      %add3A_160 = arith.addi %mul3A_2, %mul3A_159 : i32
      %dma_start3A_161 = arith.constant 1 : i32
      %dma_start3A_162 = arith.constant 0 : i32
      %dma_start3A_163 = arith.constant 0 : i32
      %dma_start3A_164 = arith.constant 0 : i32
      %dma_start3A_165 = tpu.memref_slice %arg7[%dma_start3A_161, %dma_start3A_162, %dma_start3A_163, %dma_start3A_164] : memref<2x16x26x64xbf16, #tpu.memory_space<vmem>> -> memref<1x16x26x64xbf16, #tpu.memory_space<vmem>>
      %dma_start3A_166 = tpu.memref_squeeze %dma_start3A_165 : memref<1x16x26x64xbf16, #tpu.memory_space<vmem>> -> memref<16x26x64xbf16, #tpu.memory_space<vmem>>
      %dma_start3A_167 = arith.constant 0 : i32
      %dma_start3A_168 = arith.constant 0 : i32
      %dma_start3A_169 = tpu.memref_slice %arg4[%add3A_160, %dma_start3A_167, %dma_start3A_168] : memref<16384x26x64xbf16, #tpu.memory_space<hbm>> -> memref<16x26x64xbf16, #tpu.memory_space<hbm>>
      %dma_start3A_170 = arith.constant 0 : i32
      %dma_start3A_171 = arith.constant 0 : i32
      %dma_start3A_172 = tpu.memref_slice %arg4[%add3A_160, %dma_start3A_170, %dma_start3A_171] : memref<16384x26x64xbf16, #tpu.memory_space<hbm>> -> memref<16x26x64xbf16, #tpu.memory_space<hbm>>
      %dma_start3A_173 = arith.constant 0 : i32
      %dma_start3A_174 = arith.constant 0 : i32
      %dma_start3A_175 = arith.constant 0 : i32
      %dma_start3A_176 = tpu.memref_slice %arg7[%dma_start3A_161, %dma_start3A_173, %dma_start3A_174, %dma_start3A_175] : memref<2x16x26x64xbf16, #tpu.memory_space<vmem>> -> memref<1x16x26x64xbf16, #tpu.memory_space<vmem>>
      %dma_start3A_177 = tpu.memref_squeeze %dma_start3A_176 : memref<1x16x26x64xbf16, #tpu.memory_space<vmem>> -> memref<16x26x64xbf16, #tpu.memory_space<vmem>>
      tpu.enqueue_dma source(%dma_start3A_177 : memref<16x26x64xbf16, #tpu.memory_space<vmem>>) target(%dma_start3A_172 : memref<16x26x64xbf16, #tpu.memory_space<hbm>>) target_semaphore(%arg11 : memref<!tpu.dma_semaphore, #tpu.memory_space<semaphore_mem>>)
    }
    %scan3A_31 = arith.constant 16 : i32
    %dma_wait3A = arith.constant 0 : i32
    %dma_wait3A_32 = arith.constant 0 : i32
    %dma_wait3A_33 = arith.constant 0 : i32
    %dma_wait3A_34 = arith.constant 0 : i32
    %dma_wait3A_35 = tpu.memref_slice %arg7[%dma_wait3A, %dma_wait3A_32, %dma_wait3A_33, %dma_wait3A_34] : memref<2x16x26x64xbf16, #tpu.memory_space<vmem>> -> memref<1x16x26x64xbf16, #tpu.memory_space<vmem>>
    %dma_wait3A_36 = tpu.memref_squeeze %dma_wait3A_35 : memref<1x16x26x64xbf16, #tpu.memory_space<vmem>> -> memref<16x26x64xbf16, #tpu.memory_space<vmem>>
    %dma_wait3A_37 = arith.constant 0 : i32
    %dma_wait3A_38 = arith.constant 0 : i32
    %dma_wait3A_39 = arith.constant 0 : i32
    %dma_wait3A_40 = tpu.memref_slice %arg4[%dma_wait3A_37, %dma_wait3A_38, %dma_wait3A_39] : memref<16384x26x64xbf16, #tpu.memory_space<hbm>> -> memref<16x26x64xbf16, #tpu.memory_space<hbm>>
    %dma_wait3A_41 = arith.constant 0 : i32
    %dma_wait3A_42 = arith.constant 0 : i32
    %dma_wait3A_43 = arith.constant 0 : i32
    %dma_wait3A_44 = tpu.memref_slice %arg7[%dma_wait3A, %dma_wait3A_41, %dma_wait3A_42, %dma_wait3A_43] : memref<2x16x26x64xbf16, #tpu.memory_space<vmem>> -> memref<1x16x26x64xbf16, #tpu.memory_space<vmem>>
    %dma_wait3A_45 = tpu.memref_squeeze %dma_wait3A_44 : memref<1x16x26x64xbf16, #tpu.memory_space<vmem>> -> memref<16x26x64xbf16, #tpu.memory_space<vmem>>
    %dma_wait3A_46 = arith.constant 0 : i32
    %dma_wait3A_47 = arith.constant 0 : i32
    %dma_wait3A_48 = arith.constant 0 : i32
    %dma_wait3A_49 = tpu.memref_slice %arg4[%dma_wait3A_46, %dma_wait3A_47, %dma_wait3A_48] : memref<16384x26x64xbf16, #tpu.memory_space<hbm>> -> memref<16x26x64xbf16, #tpu.memory_space<hbm>>
    tpu.wait_dma2 semaphore(%arg10 : memref<!tpu.dma_semaphore, #tpu.memory_space<semaphore_mem>>) src(%dma_wait3A_49 : memref<16x26x64xbf16, #tpu.memory_space<hbm>>) dst(%dma_wait3A_45 : memref<16x26x64xbf16, #tpu.memory_space<vmem>>)
    %dma_wait3A_50 = arith.constant 1 : i32
    %dma_wait3A_51 = arith.constant 0 : i32
    %dma_wait3A_52 = arith.constant 0 : i32
    %dma_wait3A_53 = arith.constant 0 : i32
    %dma_wait3A_54 = tpu.memref_slice %arg7[%dma_wait3A_50, %dma_wait3A_51, %dma_wait3A_52, %dma_wait3A_53] : memref<2x16x26x64xbf16, #tpu.memory_space<vmem>> -> memref<1x16x26x64xbf16, #tpu.memory_space<vmem>>
    %dma_wait3A_55 = tpu.memref_squeeze %dma_wait3A_54 : memref<1x16x26x64xbf16, #tpu.memory_space<vmem>> -> memref<16x26x64xbf16, #tpu.memory_space<vmem>>
    %dma_wait3A_56 = arith.constant 0 : i32
    %dma_wait3A_57 = arith.constant 0 : i32
    %dma_wait3A_58 = arith.constant 0 : i32
    %dma_wait3A_59 = tpu.memref_slice %arg4[%dma_wait3A_56, %dma_wait3A_57, %dma_wait3A_58] : memref<16384x26x64xbf16, #tpu.memory_space<hbm>> -> memref<16x26x64xbf16, #tpu.memory_space<hbm>>
    %dma_wait3A_60 = arith.constant 0 : i32
    %dma_wait3A_61 = arith.constant 0 : i32
    %dma_wait3A_62 = arith.constant 0 : i32
    %dma_wait3A_63 = tpu.memref_slice %arg7[%dma_wait3A_50, %dma_wait3A_60, %dma_wait3A_61, %dma_wait3A_62] : memref<2x16x26x64xbf16, #tpu.memory_space<vmem>> -> memref<1x16x26x64xbf16, #tpu.memory_space<vmem>>
    %dma_wait3A_64 = tpu.memref_squeeze %dma_wait3A_63 : memref<1x16x26x64xbf16, #tpu.memory_space<vmem>> -> memref<16x26x64xbf16, #tpu.memory_space<vmem>>
    %dma_wait3A_65 = arith.constant 0 : i32
    %dma_wait3A_66 = arith.constant 0 : i32
    %dma_wait3A_67 = arith.constant 0 : i32
    %dma_wait3A_68 = tpu.memref_slice %arg4[%dma_wait3A_65, %dma_wait3A_66, %dma_wait3A_67] : memref<16384x26x64xbf16, #tpu.memory_space<hbm>> -> memref<16x26x64xbf16, #tpu.memory_space<hbm>>
    tpu.wait_dma2 semaphore(%arg11 : memref<!tpu.dma_semaphore, #tpu.memory_space<semaphore_mem>>) src(%dma_wait3A_68 : memref<16x26x64xbf16, #tpu.memory_space<hbm>>) dst(%dma_wait3A_64 : memref<16x26x64xbf16, #tpu.memory_space<vmem>>)
    return
  }
}

</mosaic_0001>

<sc_bundles>
// kernel: kernel.3.cloned.1.call-start
scs
__scs_entry_jumppad:
0x0: {  	(pc) =	sbr.rel $0x88, $3  }
0x1: {  	(tag) =	ssettag $0x0;
	lr =	simm.s32 $0x1  }
0x2: {  	[smem:$0x3F9F] =	sst lr;
	_ =	strace $0xD0000000  }
0x3: {  	_ = 	snop  }
0x4: {  	_ = 	snop  }
0x5: {  	_ = 	snop  }
0x6: {  	_ = 	snop  }
0x7: {  	_ = 	snop  }
__scs_overlays_trampoline_lowered:
0x8: {  	[smem:$0x3FAE] =	sst s0  }
0x9: {  	[smem:$0x3FAF] =	sst s1  }
0xa: {  	[smem:$0x3FB0] =	sst s2  }
0xb: {  	[smem:$0x3FB1] =	sst s3  }
0xc: {  	[smem:$0x3FB2] =	sst s4  }
0xd: {  	[smem:$0x3FB3] =	sst s5  }
0xe: {  	[smem:$0x3FB4] =	sst s6  }
0xf: {  	[smem:$0x3FB5] =	sst s7  }
0x10: {  	[smem:$0x3FB6] =	sst s8  }
0x11: {  	[smem:$0x3FB7] =	sst s9;
	s0 =	simm.s32 @!p0 $0x0  }
0x12: {  	s1 =	sld [smem:$0x3F9D];
	s0 =	simm.s32 @p0 $0x1  }
0x13: {  	[smem:$0x3FB8] =	sst s0;
	s0 =	simm.s32 @!p1 $0x0  }
0x14: {  	s2 =	sld [smem:$0x3F9C];
	s0 =	simm.s32 @p1 $0x1  }
0x15: {  	[smem:$0x3FB9] =	sst s0;
	s0 =	simm.s32 @!p2 $0x0  }
0x16: {  	s3 =	sld [smem:$0x3FDB];
	s0 =	simm.s32 @p2 $0x1  }
0x17: {  	s4 =	simm.s32 $0x1BF5;
	[smem:$0x3FBB] =	sst s0  }
0x18: {  	s0 =	sld [smem:$0x3F9E];
	_ =	swait.ge [sflag:s4], $0x0  }
0x19: {  	s7 =	sld [smem:$0x3F9F]  }
0x1a: {  	s8 =	sadd.s32 $0xFFFFE003, lr  }
0x1b: {  	s9 =	sadd.s32 $0xFFFFFEF7, lr;
	s5 =	simm.s32 $0xFFFFFFFF;
	p2 =	slt.u32 s8, $0xFFFFF086  }
0x1c: {  	p1 =	slt.u32 s9, $0xF7A;
	s5 =	simm.s32 @!p2 $0x0  }
0x1d: {  	s5 =	simm.s32 @p1 $0x1;
	p0 =	seq.s32 s7, s2  }
0x1e: {  	s7 =	smul.u32 @!p0 $0xF7A, s2;
	p2 =	seq.s32 @!p0 s5, $0x0  }
0x1f: {  	s9 =	smul.u32 $0xF7A, s1;
	s8 =	simm.s32 @!p0 $0x1BF5;
	p2 =	por !p2, p0  }
0x20: {  	[sflag:s8] =	ssyncset.s32 @!p0 $0xFFFFF086;
	s6 =	sadd.s32 @!p0 s3, s7;
	s7 =	simm.s32 @!p0 $0x108  }
0x21: {  	s3 =	sadd.s32 s3, s9;
	s6 =	sadd.s32 @!p0 $0x88, s6;
	s7 =	simm.s32 @p2 $0x1082  }
0x22: {  	[simem:s7], [sflag:s8] =	dma.local @!p0 [hbm:s6], $0xF7A  }
0x23: {  	s9 =	sor.u32 $0xD0000000, s2;
	s6 =	simm.s32 $0x108;
	_ =	swait.ge @!p0 [sflag:s8], $0x0  }
0x24: {  	s3 =	sadd.s32 $0x88, s3;
	s6 =	simm.s32 @!p1 $0x1082;
	[sflag:s4] =	ssyncset.s32 $0xFFFFF086  }
0x25: {  	[simem:s6], [sflag:s4] =	dma.local [hbm:s3], $0xF7A  }
0x26: {  	[smem:$0x3F9F] =	sst s1;
	(tag) =	ssettag s2;
	_ =	strace s9  }
0x27: {  	s1 =	sld [smem:$0x3FAF]  }
0x28: {  	s2 =	sld [smem:$0x3FB0]  }
0x29: {  	s4 =	sld [smem:$0x3FB2]  }
0x2a: {  	p0 =	seq.s32 s5, $0x0;
	s5 =	sld [smem:$0x3FB3]  }
0x2b: {  	s6 =	sld [smem:$0x3FB4]  }
0x2c: {  	s7 =	sld [smem:$0x3FB5]  }
0x2d: {  	s3 =	simm.s32 $0x108;
	s8 =	sld [smem:$0x3FB6]  }
0x2e: {  	s3 =	simm.s32 @!p0 $0x1082;
	s9 =	sld [smem:$0x3FB7]  }
0x2f: {  	lr =	sadd.s32 s0, s3;
	s0 =	sld [smem:$0x3FAE]  }
0x30: {  	s3 =	sld [smem:$0x3FB1]  }
0x31: {  	[smem:$0x3FBA] =	sst s10  }
0x32: {  	s10 =	sld [smem:$0x3FB8];
	_ =	sdelay $0x3  }
0x33: {  	p0 =	seq.s32 s10, $0x1;
	s10 =	sld [smem:$0x3FBA];
	_ =	sdelay $0x3  }
0x34: {  	[smem:$0x3FBA] =	sst s10  }
0x35: {  	s10 =	sld [smem:$0x3FB9];
	_ =	sdelay $0x3  }
0x36: {  	p1 =	seq.s32 s10, $0x1;
	s10 =	sld [smem:$0x3FBA];
	_ =	sdelay $0x3  }
0x37: {  	[smem:$0x3FBA] =	sst s10  }
0x38: {  	s10 =	sld [smem:$0x3FBB]  }
0x39: {  	_ = 	snop;
	(pc) =	sbr.ind lr, $3  }
0x3a: {  	_ = 	snop  }
0x3b: {  	_ = 	snop  }
0x3c: {  	p2 =	seq.s32 s10, $0x1;
	s10 =	sld [smem:$0x3FBA]  }
0x3d: {  	_ =	shalt  }
0x3e: {  	_ =	shalt  }
0x3f: {  	_ =	shalt  }
0x40: {  	_ =	shalt  }
0x41: {  	_ =	shalt  }
0x42: {  	_ =	shalt  }
0x43: {  	_ =	shalt  }
0x44: {  	_ =	shalt  }
0x45: {  	_ =	shalt  }
0x46: {  	_ =	shalt  }
0x47: {  	_ =	shalt  }
0x48: {  	_ =	shalt  }
0x49: {  	_ =	shalt  }
0x4a: {  	_ =	shalt  }
0x4b: {  	_ =	shalt  }
0x4c: {  	_ =	shalt  }
0x4d: {  	_ =	shalt  }
0x4e: {  	_ =	shalt  }
0x4f: {  	_ =	shalt  }
0x50: {  	_ =	shalt  }
0x51: {  	_ =	shalt  }
0x52: {  	_ =	shalt  }
0x53: {  	_ =	shalt  }
0x54: {  	_ =	shalt  }
0x55: {  	_ =	shalt  }
0x56: {  	_ =	shalt  }
0x57: {  	_ =	shalt  }
0x58: {  	_ =	shalt  }
0x59: {  	_ =	shalt  }
0x5a: {  	_ =	shalt  }
0x5b: {  	_ =	shalt  }
0x5c: {  	_ =	shalt  }
0x5d: {  	_ =	shalt  }
0x5e: {  	_ =	shalt  }
0x5f: {  	_ =	shalt  }
0x60: {  	_ =	shalt  }
0x61: {  	_ =	shalt  }
0x62: {  	_ =	shalt  }
0x63: {  	_ =	shalt  }
0x64: {  	_ =	shalt  }
0x65: {  	_ =	shalt  }
0x66: {  	_ =	shalt  }
0x67: {  	_ =	shalt  }
0x68: {  	_ =	shalt  }
0x69: {  	_ =	shalt  }
0x6a: {  	_ =	shalt  }
0x6b: {  	_ =	shalt  }
0x6c: {  	_ =	shalt  }
0x6d: {  	_ =	shalt  }
0x6e: {  	_ =	shalt  }
0x6f: {  	_ =	shalt  }
0x70: {  	_ =	shalt  }
0x71: {  	_ =	shalt  }
0x72: {  	_ =	shalt  }
0x73: {  	_ =	shalt  }
0x74: {  	_ =	shalt  }
0x75: {  	_ =	shalt  }
0x76: {  	_ =	shalt  }
0x77: {  	_ =	shalt  }
0x78: {  	_ =	shalt  }
0x79: {  	_ =	shalt  }
0x7a: {  	_ =	shalt  }
0x7b: {  	_ =	shalt  }
0x7c: {  	_ =	shalt  }
0x7d: {  	_ =	shalt  }
0x7e: {  	_ =	shalt  }
0x7f: {  	_ =	shalt  }
0x80: {  	_ =	shalt  }
0x81: {  	_ =	shalt  }
0x82: {  	_ =	shalt  }
0x83: {  	_ =	shalt  }
0x84: {  	_ =	shalt  }
0x85: {  	_ =	shalt  }
0x86: {  	_ =	shalt  }
0x87: {  	_ =	shalt  }
.Lfunc_end0:
.L_simem_size_0:
called_computation.1_lowered:
.L_overlay_start_0:
0x88: {  	s2 =	sld [smem:$0x3FD9]  }
0x89: {  	s3 =	sld [smem:$0x3FFE];
	_ =	sdelay $0x1  }
0x8a: {  	s1 =	srdreg.scid  }
0x8b: {  	s0 =	sand.u32 $0x1, s1  }
0x8c: {  	s17 =	sshll.u32 s0, $0xA;
	s2 =	sadd.s32 s3, s2  }
0x8d: {  	s2 =	sadd.s32 s2, s17  }
0x8e: {  	[smem:$0x3FC6] =	sst s2  }
0x8f: {  	_ = 	snop  }
0x90: {  	s2 =	sld [smem:$0x3FD0];
	(tm) =	ssettm $0x1  }
0x91: {  	s18 =	sld [smem:$0x3FFB];
	_ =	sdelay $0x3  }
0x92: {  	_ =	strace s18  }
0x93: {  	s3 =	sld [smem:$0x3FFC];
	_ =	sdelay $0x3  }
0x94: {  	_ =	strace s3  }
0x95: {  	s3 =	sld [smem:$0x3FFD];
	_ =	sdelay $0x3  }
0x96: {  	_ =	strace s3  }
0x97: {  	_ =	strace $0x8FFFFFFF  }
0x98: {  	s19 =	sld [smem:$0x3FDB];
	_ =	sdelay $0x1  }
0x99: {  	s4 =	simm.s32 $_scs_section_size  }
0x9a: {  	s5 =	simm.s32 $_size__tile_overlayer_lowered;
	s6 =	simm.s32 $_tile_overlayer_lowered  }
0x9b: {  	s22 =	simm.s32 $0x1BFF;
	s21 =	sshll.u32 s6, $0x1;
	s3 =	sadd.s32 s4, s19  }
0x9c: {  	s7 =	simm.s32 $0x0;
	s20 =	sshll.u32 s5, $0x1;
	s5 =	sadd.s32 s21, s3  }
0x9d: {  	[timem:s7], [sflag:s22] =	dma.local [hbm:s5], s20  }
0x9e: {  	_ =	swait.ge [sflag:s22], s20  }
0x9f: {  	s4 =	ssub.s32 $0x0, s20;
	[sflag:s22] =	ssyncset.done $0x0  }
0xa0: {  	[sflag:s22] =	ssyncadd.s32 s4;
	_ =	sdelay $0x1  }
0xa1: {  	s23 =	simm.s32 $0x1B8B  }
0xa2: {  	_ =	swait.ge [sflag:s23], $0x1  }
0xa3: {  	[sflag:s23] =	ssyncset.done $0x0  }
0xa4: {  	s25 =	simm.s32 $0x1B8E;
	s24 =	sld [smem:$0x3FFE];
	[sflag:s23] =	ssyncadd.s32 $0xFFFFFFFF  }
0xa5: {  	s26 =	simm.s32 $execute0_lowered;
	[smem:$0x3FD2] =	sst s25  }
0xa6: {  	s5 =	sshll.u32 s26, $0x1;
	_ =	strace $0x80000046;
	[dreg:$0x1] =	wrdreg $0xFFFFFFFF  }
0xa7: {  	s28 =	simm.s32 $_size_execute0_lowered;
	s3 =	sadd.s32 s3, s5;
	[dreg:$0x0] =	wrdreg $0x0  }
0xa8: {  	s5 =	sshll.u32 s28, $0x1;
	[dreg:$0x2] =	wrdreg s3  }
0xa9: {  	[dreg:$0x3] =	wrdreg s5  }
0xaa: {  	[dreg:$0x4] =	wrdreg $0xC0  }
0xab: {  	_ =	task [dreg:s7], $0x5FFFF  }
0xac: {  	[dreg:$0x1] =	wrdreg $0xFFFFFFFF  }
0xad: {  	[dreg:$0x0] =	wrdreg $0x60  }
0xae: {  	[dreg:$0x2] =	wrdreg s2  }
0xaf: {  	[dreg:$0x3] =	wrdreg s24  }
0xb0: {  	[dreg:$0x4] =	wrdreg $0x9  }
0xb1: {  	_ =	task.clear_ibuf [dreg:s7], $0x5FFFF;
	_ =	strace $0x90000046  }
0xb2: {  	s29 =	simm.s32 $0x9;
	_ =	strace $0x80000048  }
0xb3: {  	_ =	swait.ge [sflag:s29], $0x1  }
0xb4: {  	[sflag:s29] =	ssyncadd.s32 $0xFFFFFFFF  }
0xb5: {  	_ =	strace $0x90000048  }
0xb6: {  	_ =	sfence  }
0xb7: {  	s30 =	sld [smem:$0x0];
	_ =	sdelay $0x2  }
0xb8: {  	s31 =	sshll.u32 s1, $0xD;
	s1 =	sshrl.u32 s1, $0x2  }
0xb9: {  	s3 =	sand.u32 $0x4000, s31;
	s1 =	sadd.s32 s1, s30  }
0xba: {  	s0 =	sor.u32 s3, s0;
	s1 =	sshll.u32 s1, $0x11  }
0xbb: {  	s0 =	sor.u32 s1, s0  }
0xbc: {  	s0 =	sadd.s32 $0x8F2B, s0  }
0xbd: {  	[sflag:s0] =	ssyncadd.remote.s32 $0x1  }
0xbe: {  	_ =	sfence.sel $0xFFFF  }
0xbf: {  	[dreg:$0x0] =	wrdreg $0xFFFFFFFF;
	(pc) =	sbr.abs _section_cstart, $3  }
0xc0: {  	[dreg:$0x1] =	wrdreg $0xFFFFFFFF  }
0xc1: {  	_ =	task.clear_ibuf [dreg:s7], $0x2FFFF;
	_ =	strace $0x9FFFFFFF  }
0xc2: {  	(tm) =	ssettm $0x7FFFFFFF  }
0xc3: {  	_ =	shalt  }
tec
execute0_lowered:
.L_overlay_start_1:
0x0: {  	(tag) =	ssettag $0x1  }
0x1: {  	s6 =	rddreg [dreg:$0x0]  }
0x2: {  	s4 =	rddreg [dreg:$0x1]  }
0x3: {  	s0 =	rddreg [dreg:$0x2];
	s3 =	srdreg.scid  }
0x4: {  	s1 =	stileid.u32;
	s2 =	simm.s32 $0x0;
	s10 =	simm.s32 $0x3400  }
0x5: {  	s11 =	simm.s32 $0x9C00;
	s12 =	simm.s32 $0x1;
	s13 =	simm.s32 $0x10400  }
0x6: {  	s14 =	simm.s32 $0x2;
	s15 =	simm.s32 $0x4;
	s16 =	simm.s32 $0x13800  }
0x7: {  	s17 =	simm.s32 $0x3;
	s3 =	sand.u32 $0x1, s3;
	s5 =	sshll.u32 s1, $0x1  }
0x8: {  	s18 =	simm.s32 $0x0;
	[smem:$0x7FF] =	sst s2;
	s5 =	sor.u32 s3, s5  }
0x9: {  	v0 =	vlaneseq.u32;
	_ =	strace $0x80000047;
	s7 =	ssub.s32 $0x2, s3;
	s3 =	sadd.s32 $0xF42E00, s4  }
0xa: {  	v0 =	vmul.u32 $0x2, v0;
	s4 =	sadd.s32 $0xA00, s4;
	s8 =	smul.u32 $0x680, s5;
	s9 =	sshrl.u32 s7, $0x1  }
0xb: {  	s5 =	sshll.u32 s5, $0x9;
	s7 =	ssub.s32 s7, s9;
	s9 =	simm.s32 $0x1A0  }
0xc: {  	v1 =	vor.u32 $0x1, v0;
	v2 =	vor.u32 $0x20, v0;
	v3 =	vor.u32 $0x21, v0;
	s6 =	sadd.s32 s6, s8;
	s7 =	smax.u32 s7, $0x1;
	s8 =	simm.s32 $0x5  }
.LBB2_1:
0xd: {  	[tilespmem:s2], [sflag:$0x5] =	stream.linear.gather [hbm4b:s6+s2], $0x3400, $0x38;
	[tilespmem:$0x16C00] =	vst v63  }
0xe: {  	_ =	swait.ge [sflag:s8], $0x3400  }
0xf: {  	[sflag:s8] =	ssyncset.done $0x0  }
0x10: {  	s19 =	simm.s32 $0x0;
	[sflag:s8] =	ssyncadd.s32 $0xFFFFCC00  }
0x11: {  	[tilespmem:s10], [sflag:$0x1] =	stream.indirect.gather [hbm4b:s3+s9], $0x40, s2, s9, $0xb8;
	[tilespmem:$0x16C00] =	vst v63  }
.LBB2_2:
0x12: {  	s20 =	sshllo.u32 s19, $0x1  }
0x13: {  	s21 =	smul.u32 $0x680, s20;
	_ =	sdelay $0x1  }
0x14: {  	s21 =	sshra.s32 s21, $0x2  }
0x15: {  	[tilespmem:s11], [sflag:$0x2] =	stream.indirect.gather [hbm4b:s3+s9], $0x40, s21, s9, $0xb8;
	[tilespmem:$0x16C00] =	vst v63  }
0x16: {  	_ =	swait.ge [sflag:s12], $0x6800  }
0x17: {  	p0 =	seq.s32 s19, $0x0;
	[sflag:s12] =	ssyncset.done $0x0  }
0x18: {  	s21 =	simm.s32 @!p0 $0x3;
	[sflag:s12] =	ssyncadd.s32 $0xFFFF9800  }
0x19: {  	_ =	swait.ge @!p0 [sflag:s21], $0x3400  }
0x1a: {  	s22 =	simm.s32 $0x10420;
	[sflag:s21] =	ssyncset.done @!p0 $0x0  }
0x1b: {  	s23 =	simm.s32 $0x0;
	[sflag:s21] =	ssyncadd.s32 @!p0 $0xFFFFCC00;
	s21 =	simm.s32 $0x0  }
.LBB2_3:
0x1c: {  	s24 =	sadd.s32 $0xFFFFFFFE, s21  }
0x1d: {  	s24 =	sshll.u32 s24, $0x6  }
0x1e: {  	s25 =	sadd.s32 $0x80, s24  }
0x1f: {  	v4 =	vor.u32 s25, v0  }
0x20: {  	v5 =	vor.u32 s25, v1;
	_ =	sdelay $0x3  }
0x21: {  	v4 =	vld.idx.msk [tilespmem:v4+s10+$0x0], $0xffff  }
0x22: {  	v5 =	vld.idx.msk [tilespmem:v5+s10+$0x0], $0xffff;
	_ =	sdelay $0x1  }
0x23: {  	v6 =	vor.u32 s25, v2  }
0x24: {  	v7 =	vor.u32 s25, v3;
	_ =	sdelay $0x1  }
0x25: {  	v4 =	vpack.i.f32.bf16 v5, v4  }
0x26: {  	[tilespmem:s22+$0xFFFFFFE0] =	vst v4  }
0x27: {  	v4 =	vld.idx.msk [tilespmem:v6+s10+$0x0], $0xffff  }
0x28: {  	v5 =	vld.idx.msk [tilespmem:v7+s10+$0x0], $0xffff  }
0x29: {  	s24 =	sadd.s32 $0xC0, s24  }
0x2a: {  	v6 =	vor.u32 s24, v0  }
0x2b: {  	v7 =	vor.u32 s24, v1;
	_ =	sdelay $0x1  }
0x2c: {  	v4 =	vpack.i.f32.bf16 v5, v4  }
0x2d: {  	[tilespmem:s22+$0xFFFFFFF0] =	vst v4  }
0x2e: {  	v4 =	vld.idx.msk [tilespmem:v6+s10+$0x0], $0xffff  }
0x2f: {  	v5 =	vld.idx.msk [tilespmem:v7+s10+$0x0], $0xffff;
	_ =	sdelay $0x1  }
0x30: {  	v6 =	vor.u32 s24, v2  }
0x31: {  	v7 =	vor.u32 s24, v3;
	_ =	sdelay $0x1  }
0x32: {  	v4 =	vpack.i.f32.bf16 v5, v4  }
0x33: {  	[tilespmem:s22+$0x0] =	vst v4  }
0x34: {  	s31 =	sadd.s32 $0x0, s21;
	v4 =	vld.idx.msk [tilespmem:v6+s10+$0x0], $0xffff  }
0x35: {  	s26 =	simm.s32 $0x2;
	s28 =	smov.u32 s22;
	s24 =	sshll.u32 s31, $0x6;
	v5 =	vld.idx.msk [tilespmem:v7+s10+$0x0], $0xffff  }
0x36: {  	s29 =	sadd.s32 $0x80, s24;
	s25 =	sadd.s32 $0xC0, s24;
	s24 =	smov.u32 s22  }
.LBB2_4:
0x37: {  	v6 =	vor.u32 s29, v0;
	v7 =	vor.u32 s29, v1;
	s24 =	sadd.s32 $0x40, s24;
	s30 =	smov.u32 s26;
	s26 =	sadd.s32 $0x2, s26  }
0x38: {  	p1 =	slt.u32 s26, $0x18;
	_ =	sdelay $0x1  }
0x39: {  	v4 =	vpack.i.f32.bf16 v5, v4  }
0x3a: {  	[tilespmem:s28+$0x10] =	vst v4;
	s28 =	smov.u32 s24  }
0x3b: {  	v4 =	vld.idx.msk [tilespmem:v6+s10+$0x0], $0xffff  }
0x3c: {  	v5 =	vld.idx.msk [tilespmem:v7+s10+$0x0], $0xffff;
	_ =	sdelay $0x2  }
0x3d: {  	v6 =	vor.u32 s29, v2;
	v7 =	vor.u32 s29, v3;
	_ =	sdelay $0x2  }
0x3e: {  	v4 =	vpack.i.f32.bf16 v5, v4  }
0x3f: {  	[tilespmem:s24+$0xFFFFFFE0] =	vst v4  }
0x40: {  	v4 =	vld.idx.msk [tilespmem:v6+s10+$0x0], $0xffff  }
0x41: {  	v5 =	vld.idx.msk [tilespmem:v7+s10+$0x0], $0xffff;
	_ =	sdelay $0x2  }
0x42: {  	v6 =	vor.u32 s25, v0;
	v7 =	vor.u32 s25, v1;
	_ =	sdelay $0x2  }
0x43: {  	v4 =	vpack.i.f32.bf16 v5, v4  }
0x44: {  	[tilespmem:s24+$0xFFFFFFF0] =	vst v4  }
0x45: {  	v4 =	vld.idx.msk [tilespmem:v6+s10+$0x0], $0xffff  }
0x46: {  	v5 =	vld.idx.msk [tilespmem:v7+s10+$0x0], $0xffff;
	_ =	sdelay $0x2  }
0x47: {  	v6 =	vor.u32 s25, v2;
	v7 =	vor.u32 s25, v3;
	_ =	sdelay $0x2  }
0x48: {  	v4 =	vpack.i.f32.bf16 v5, v4  }
.Ltmp0:
0x49: {  	[tilespmem:s24+$0x0] =	vst v4;
	(pc) =	sbr.rel @p1 .LBB2_4-.Ltmp0, $4  }
0x4a: {  	v4 =	vld.idx.msk [tilespmem:v6+s10+$0x0], $0xffff  }
0x4b: {  	s25 =	sadd.s32 s30, s21;
	v5 =	vld.idx.msk [tilespmem:v7+s10+$0x0], $0xffff  }
0x4c: {  	s25 =	sshll.u32 s25, $0x6  }
0x4d: {  	s29 =	sadd.s32 $0x80, s25;
	s25 =	sadd.s32 $0xC0, s25  }
0x4e: {  	v6 =	vor.u32 s29, v0  }
0x4f: {  	v7 =	vor.u32 s29, v1;
	_ =	sdelay $0x1  }
0x50: {  	v4 =	vpack.i.f32.bf16 v5, v4  }
0x51: {  	[tilespmem:s28+$0x10] =	vst v4  }
0x52: {  	v4 =	vld.idx.msk [tilespmem:v6+s10+$0x0], $0xffff  }
0x53: {  	v5 =	vld.idx.msk [tilespmem:v7+s10+$0x0], $0xffff;
	_ =	sdelay $0x1  }
0x54: {  	v58 =	vor.u32 s29, v2  }
0x55: {  	v59 =	vor.u32 s29, v3;
	_ =	sdelay $0x1  }
0x56: {  	s24 =	sadd.s32 $0x40, s24;
	v4 =	vpack.i.f32.bf16 v5, v4  }
0x57: {  	[tilespmem:s24+$0xFFFFFFE0] =	vst v4  }
0x58: {  	v4 =	vld.idx.msk [tilespmem:v58+s10+$0x0], $0xffff  }
0x59: {  	v5 =	vld.idx.msk [tilespmem:v59+s10+$0x0], $0xffff;
	_ =	sdelay $0x1  }
0x5a: {  	v60 =	vor.u32 s25, v0  }
0x5b: {  	v61 =	vor.u32 s25, v1;
	_ =	sdelay $0x1  }
0x5c: {  	v4 =	vpack.i.f32.bf16 v5, v4  }
0x5d: {  	[tilespmem:s24+$0xFFFFFFF0] =	vst v4  }
0x5e: {  	v4 =	vld.idx.msk [tilespmem:v60+s10+$0x0], $0xffff  }
0x5f: {  	v5 =	vld.idx.msk [tilespmem:v61+s10+$0x0], $0xffff;
	_ =	sdelay $0x1  }
0x60: {  	v62 =	vor.u32 s25, v2  }
0x61: {  	v63 =	vor.u32 s25, v3;
	_ =	sdelay $0x1  }
0x62: {  	v4 =	vpack.i.f32.bf16 v5, v4  }
0x63: {  	[tilespmem:s24+$0x0] =	vst v4  }
0x64: {  	v4 =	vld.idx.msk [tilespmem:v62+s10+$0x0], $0xffff  }
0x65: {  	s23 =	sadd.s32 $0x1, s23;
	v5 =	vld.idx.msk [tilespmem:v63+s10+$0x0], $0xffff  }
0x66: {  	p1 =	sne.s32 s23, $0x10  }
.Ltmp1:
0x67: {  	_ = 	snop;
	(pc) =	sbr.rel @p1 .LBB2_3-.Ltmp1, $3  }
0x68: {  	_ =	sdelay $0x1  }
0x69: {  	v4 =	vpack.i.f32.bf16 v5, v4  }
0x6a: {  	s21 =	sadd.s32 $0x1A, s21;
	s22 =	sadd.s32 $0x340, s22;
	[tilespmem:s24+$0x10] =	vst v4  }
0x6b: {  	s21 =	sshll.u32 s19, $0x5;
	p1 =	sne.s32 s19, $0xF  }
.Ltmp2:
0x6c: {  	s21 =	sadd.s32 s5, s21;
	(pc) =	sbr.rel @p1 .LBB2_8-.Ltmp2, $3  }
0x6d: {  	s21 =	smul.u32 $0x68, s21;
	_ =	sdelay $0x1  }
0x6e: {  	s21 =	sadd.s32 s4, s21  }
0x6f: {  	[hbm4b:s21+s2] =	stream.linear.scatter [tilespmem:s13], [sflag:$0x3], $0x3400, $0x38;
	[tilespmem:$0x16C00] =	vst v63  }
.Ltmp3:
0x70: {  	(pc) =	sbr.rel .LBB2_9-.Ltmp3, $4  }
0x71: {  	_ = 	snop  }
0x72: {  	_ =	swait.ge [sflag:s14], $0x6800  }
0x73: {  	[sflag:s14] =	ssyncset.done $0x0  }
0x74: {  	[sflag:s14] =	ssyncadd.s32 $0xFFFF9800  }
.LBB2_8:
0x75: {  	s21 =	smul.u32 $0xD00, s19;
	_ =	sdelay $0x1  }
0x76: {  	s21 =	sshra.s32 s21, $0x2  }
.Ltmp4:
0x77: {  	s21 =	sadd.s32 $0x340, s21;
	(pc) =	sbr.rel @p0 .LBB2_10-.Ltmp4, $4  }
0x78: {  	[tilespmem:s10], [sflag:$0x1] =	stream.indirect.gather [hbm4b:s3+s9], $0x40, s21, s9, $0xb8;
	[tilespmem:$0x16C00] =	vst v63  }
0x79: {  	_ =	swait.ge [sflag:s14], $0x6800  }
0x7a: {  	[sflag:s14] =	ssyncset.done $0x0  }
0x7b: {  	[sflag:s14] =	ssyncadd.s32 $0xFFFF9800  }
.LBB2_9:
0x7c: {  	_ =	swait.ge [sflag:s15], $0x3400  }
0x7d: {  	[sflag:s15] =	ssyncset.done $0x0  }
0x7e: {  	[sflag:s15] =	ssyncadd.s32 $0xFFFFCC00  }
.LBB2_10:
0x7f: {  	s21 =	simm.s32 $0x13830;
	s22 =	simm.s32 $0x0;
	s23 =	simm.s32 $0x0  }
.LBB2_11:
0x80: {  	s24 =	sadd.s32 $0xFFFFFFFE, s22  }
0x81: {  	s24 =	sshll.u32 s24, $0x6  }
0x82: {  	s25 =	sadd.s32 $0x80, s24  }
0x83: {  	v4 =	vor.u32 s25, v0  }
0x84: {  	v5 =	vor.u32 s25, v1;
	_ =	sdelay $0x3  }
0x85: {  	v4 =	vld.idx.msk [tilespmem:v4+s11+$0x0], $0xffff  }
0x86: {  	v5 =	vld.idx.msk [tilespmem:v5+s11+$0x0], $0xffff;
	_ =	sdelay $0x1  }
0x87: {  	v6 =	vor.u32 s25, v2  }
0x88: {  	v7 =	vor.u32 s25, v3;
	_ =	sdelay $0x1  }
0x89: {  	v4 =	vpack.i.f32.bf16 v5, v4  }
0x8a: {  	[tilespmem:s21+$0xFFFFFFD0] =	vst v4  }
0x8b: {  	v4 =	vld.idx.msk [tilespmem:v6+s11+$0x0], $0xffff  }
0x8c: {  	v5 =	vld.idx.msk [tilespmem:v7+s11+$0x0], $0xffff  }
0x8d: {  	s24 =	sadd.s32 $0xC0, s24  }
0x8e: {  	v6 =	vor.u32 s24, v0  }
0x8f: {  	v7 =	vor.u32 s24, v1;
	_ =	sdelay $0x1  }
0x90: {  	v4 =	vpack.i.f32.bf16 v5, v4  }
0x91: {  	[tilespmem:s21+$0xFFFFFFE0] =	vst v4  }
0x92: {  	v4 =	vld.idx.msk [tilespmem:v6+s11+$0x0], $0xffff  }
0x93: {  	v5 =	vld.idx.msk [tilespmem:v7+s11+$0x0], $0xffff;
	_ =	sdelay $0x1  }
0x94: {  	v6 =	vor.u32 s24, v2  }
0x95: {  	v7 =	vor.u32 s24, v3;
	_ =	sdelay $0x1  }
0x96: {  	v4 =	vpack.i.f32.bf16 v5, v4  }
0x97: {  	[tilespmem:s21+$0xFFFFFFF0] =	vst v4  }
0x98: {  	s31 =	sadd.s32 $0x0, s22;
	v4 =	vld.idx.msk [tilespmem:v6+s11+$0x0], $0xffff  }
0x99: {  	s26 =	simm.s32 $0x2;
	s28 =	smov.u32 s21;
	s24 =	sshll.u32 s31, $0x6;
	v5 =	vld.idx.msk [tilespmem:v7+s11+$0x0], $0xffff  }
0x9a: {  	s29 =	sadd.s32 $0x80, s24;
	s25 =	sadd.s32 $0xC0, s24;
	s24 =	smov.u32 s21  }
.LBB2_12:
0x9b: {  	v6 =	vor.u32 s29, v0;
	v7 =	vor.u32 s29, v1;
	s24 =	sadd.s32 $0x40, s24;
	s30 =	smov.u32 s26;
	s26 =	sadd.s32 $0x2, s26  }
0x9c: {  	p0 =	slt.u32 s26, $0x18;
	_ =	sdelay $0x1  }
0x9d: {  	v4 =	vpack.i.f32.bf16 v5, v4  }
0x9e: {  	[tilespmem:s28+$0x0] =	vst v4;
	s28 =	smov.u32 s24  }
0x9f: {  	v4 =	vld.idx.msk [tilespmem:v6+s11+$0x0], $0xffff  }
0xa0: {  	v5 =	vld.idx.msk [tilespmem:v7+s11+$0x0], $0xffff;
	_ =	sdelay $0x2  }
0xa1: {  	v6 =	vor.u32 s29, v2;
	v7 =	vor.u32 s29, v3;
	_ =	sdelay $0x2  }
0xa2: {  	v4 =	vpack.i.f32.bf16 v5, v4  }
0xa3: {  	[tilespmem:s24+$0xFFFFFFD0] =	vst v4  }
0xa4: {  	v4 =	vld.idx.msk [tilespmem:v6+s11+$0x0], $0xffff  }
0xa5: {  	v5 =	vld.idx.msk [tilespmem:v7+s11+$0x0], $0xffff;
	_ =	sdelay $0x2  }
0xa6: {  	v6 =	vor.u32 s25, v0;
	v7 =	vor.u32 s25, v1;
	_ =	sdelay $0x2  }
0xa7: {  	v4 =	vpack.i.f32.bf16 v5, v4  }
0xa8: {  	[tilespmem:s24+$0xFFFFFFE0] =	vst v4  }
0xa9: {  	v4 =	vld.idx.msk [tilespmem:v6+s11+$0x0], $0xffff  }
0xaa: {  	v5 =	vld.idx.msk [tilespmem:v7+s11+$0x0], $0xffff;
	_ =	sdelay $0x2  }
0xab: {  	v6 =	vor.u32 s25, v2;
	v7 =	vor.u32 s25, v3;
	_ =	sdelay $0x2  }
0xac: {  	v4 =	vpack.i.f32.bf16 v5, v4  }
.Ltmp5:
0xad: {  	[tilespmem:s24+$0xFFFFFFF0] =	vst v4;
	(pc) =	sbr.rel @p0 .LBB2_12-.Ltmp5, $4  }
0xae: {  	v4 =	vld.idx.msk [tilespmem:v6+s11+$0x0], $0xffff  }
0xaf: {  	s25 =	sadd.s32 s30, s22;
	v5 =	vld.idx.msk [tilespmem:v7+s11+$0x0], $0xffff  }
0xb0: {  	s25 =	sshll.u32 s25, $0x6  }
0xb1: {  	s29 =	sadd.s32 $0x80, s25;
	s25 =	sadd.s32 $0xC0, s25  }
0xb2: {  	v6 =	vor.u32 s29, v0  }
0xb3: {  	v7 =	vor.u32 s29, v1;
	_ =	sdelay $0x1  }
0xb4: {  	v4 =	vpack.i.f32.bf16 v5, v4  }
0xb5: {  	[tilespmem:s28+$0x0] =	vst v4  }
0xb6: {  	v4 =	vld.idx.msk [tilespmem:v6+s11+$0x0], $0xffff  }
0xb7: {  	v5 =	vld.idx.msk [tilespmem:v7+s11+$0x0], $0xffff;
	_ =	sdelay $0x1  }
0xb8: {  	v58 =	vor.u32 s29, v2  }
0xb9: {  	v59 =	vor.u32 s29, v3;
	_ =	sdelay $0x1  }
0xba: {  	s24 =	sadd.s32 $0x40, s24;
	v4 =	vpack.i.f32.bf16 v5, v4  }
0xbb: {  	[tilespmem:s24+$0xFFFFFFD0] =	vst v4  }
0xbc: {  	v4 =	vld.idx.msk [tilespmem:v58+s11+$0x0], $0xffff  }
0xbd: {  	v5 =	vld.idx.msk [tilespmem:v59+s11+$0x0], $0xffff;
	_ =	sdelay $0x1  }
0xbe: {  	v60 =	vor.u32 s25, v0  }
0xbf: {  	v61 =	vor.u32 s25, v1;
	_ =	sdelay $0x1  }
0xc0: {  	v4 =	vpack.i.f32.bf16 v5, v4  }
0xc1: {  	[tilespmem:s24+$0xFFFFFFE0] =	vst v4  }
0xc2: {  	v4 =	vld.idx.msk [tilespmem:v60+s11+$0x0], $0xffff  }
0xc3: {  	v5 =	vld.idx.msk [tilespmem:v61+s11+$0x0], $0xffff;
	_ =	sdelay $0x1  }
0xc4: {  	v62 =	vor.u32 s25, v2  }
0xc5: {  	v63 =	vor.u32 s25, v3;
	_ =	sdelay $0x1  }
0xc6: {  	v4 =	vpack.i.f32.bf16 v5, v4  }
0xc7: {  	[tilespmem:s24+$0xFFFFFFF0] =	vst v4  }
0xc8: {  	v4 =	vld.idx.msk [tilespmem:v62+s11+$0x0], $0xffff  }
0xc9: {  	s23 =	sadd.s32 $0x1, s23;
	v5 =	vld.idx.msk [tilespmem:v63+s11+$0x0], $0xffff  }
0xca: {  	p0 =	sne.s32 s23, $0x10  }
.Ltmp6:
0xcb: {  	_ = 	snop;
	(pc) =	sbr.rel @p0 .LBB2_11-.Ltmp6, $3  }
0xcc: {  	_ =	sdelay $0x1  }
0xcd: {  	v4 =	vpack.i.f32.bf16 v5, v4  }
0xce: {  	s21 =	sadd.s32 $0x340, s21;
	s22 =	sadd.s32 $0x1A, s22;
	[tilespmem:s24+$0x0] =	vst v4  }
0xcf: {  	s19 =	sadd.s32 $0x1, s19  }
0xd0: {  	s20 =	sshll.u32 s20, $0x4;
	p0 =	sne.s32 s19, $0x10  }
.Ltmp7:
0xd1: {  	s20 =	sadd.s32 s5, s20;
	(pc) =	sbr.rel @p0 .LBB2_2-.Ltmp7, $3  }
0xd2: {  	s20 =	smul.u32 $0x68, s20;
	_ =	sdelay $0x1  }
0xd3: {  	s20 =	sadd.s32 s4, s20  }
0xd4: {  	[hbm4b:s20+s2] =	stream.linear.scatter [tilespmem:s16], [sflag:$0x4], $0x3400, $0x38;
	[tilespmem:$0x16C00] =	vst v63  }
0xd5: {  	s18 =	sadd.s32 $0x1, s18  }
0xd6: {  	_ =	swait.ge [sflag:s17], $0x3400;
	p0 =	sne.s32 s18, s7  }
.Ltmp8:
0xd7: {  	[sflag:s17] =	ssyncset.done $0x0;
	(pc) =	sbr.rel @p0 .LBB2_1-.Ltmp8, $4  }
0xd8: {  	[sflag:s17] =	ssyncadd.s32 $0xFFFFCC00  }
0xd9: {  	_ =	swait.ge [sflag:s15], $0x3400  }
0xda: {  	[sflag:s15] =	ssyncset.done $0x0  }
0xdb: {  	[sflag:s15] =	ssyncadd.s32 $0xFFFFCC00  }
0xdc: {  	_ =	sfence.sel $0x180000  }
0xdd: {  	[bflag:$0x0] =	sbarrier.arrive $0xFFFF  }
0xde: {  	p0 =	sne.s32 s1, $0x0;
	_ =	strace $0x90000047  }
0xdf: {  	s0 =	sadd.s32 @!p0 $0x100000, s0;
	[bflag:$0x2] =	sbarrier.arrive $0xFFFF  }
0xe0: {  	[sflag:s0] =	ssyncadd.tile.s32 @!p0 $0x1;
	_ =	shalt  }
.Lfunc_end2:
_tile_overlayer_lowered:
.L_overlay_start_2:
0xe1: {  	(tag) =	ssettag $0x2  }
0xe2: {  	s0 =	rddreg [dreg:$0x0];
	s2 =	stileid.u32  }
0xe3: {  	s1 =	rddreg [dreg:$0x1];
	p0 =	sne.s32 s2, $0x0  }
0xe4: {  	s3 =	rddreg [dreg:$0x2];
	[bflag:$0x3] =	sbarrier.arrive $0xFFFF;
	s2 =	simm.s32 @!p0 $0x1C05  }
0xe5: {  	[timem:s3], [sflag:s2] =	dma.local @!p0 [hbm:s0], s1  }
0xe6: {  	s0 =	simm.s32 @!p0 $0x5  }
0xe7: {  	_ =	swait.ge @!p0 [sflag:s0], s1  }
0xe8: {  	s1 =	ssub.s32 @!p0 $0x0, s1;
	[sflag:s0] =	ssyncset.done @!p0 $0x0  }
0xe9: {  	[sflag:s0] =	ssyncadd.s32 @!p0 s1  }
0xea: {  	[bflag:$0x3] =	sbarrier.arrive $0xFFFF  }
0xeb: {  	_ =	shalt  }

// kernel: sparse-core-data-format-call.cloned.1.call-start
scs
called_computation_lowered:
.L_overlay_start_0:
0x0: {  	s2 =	sld [smem:$0x3FD9]  }
0x1: {  	s3 =	sld [smem:$0x3FFE];
	_ =	sdelay $0x1  }
0x2: {  	s1 =	srdreg.scid  }
0x3: {  	s0 =	sand.u32 $0x1, s1  }
0x4: {  	s18 =	sshll.u32 s0, $0xA;
	s2 =	sadd.s32 s3, s2  }
0x5: {  	s2 =	sadd.s32 s2, s18  }
0x6: {  	[smem:$0x3FC6] =	sst s2  }
0x7: {  	_ = 	snop  }
0x8: {  	s2 =	sld [smem:$0x3FD0];
	(tm) =	ssettm $0x1  }
0x9: {  	s19 =	sld [smem:$0x3FFB];
	_ =	sdelay $0x3  }
0xa: {  	_ =	strace s19  }
0xb: {  	s3 =	sld [smem:$0x3FFC];
	_ =	sdelay $0x3  }
0xc: {  	_ =	strace s3  }
0xd: {  	s3 =	sld [smem:$0x3FFD];
	_ =	sdelay $0x3  }
0xe: {  	_ =	strace s3  }
0xf: {  	_ =	strace $0x8FFFFFFF  }
0x10: {  	s20 =	sld [smem:$0x3FDB];
	_ =	sdelay $0x1  }
0x11: {  	s4 =	simm.s32 $_scs_section_size  }
0x12: {  	s5 =	simm.s32 $_size__tile_overlayer_lowered;
	s6 =	simm.s32 $_tile_overlayer_lowered  }
0x13: {  	s23 =	simm.s32 $0x1BFF;
	s22 =	sshll.u32 s6, $0x1;
	s3 =	sadd.s32 s4, s20  }
0x14: {  	s7 =	simm.s32 $0x0;
	s21 =	sshll.u32 s5, $0x1;
	s5 =	sadd.s32 s22, s3  }
0x15: {  	[timem:s7], [sflag:s23] =	dma.local [hbm:s5], s21  }
0x16: {  	_ =	swait.ge [sflag:s23], s21  }
0x17: {  	s4 =	ssub.s32 $0x0, s21;
	[sflag:s23] =	ssyncset.done $0x0  }
0x18: {  	[sflag:s23] =	ssyncadd.s32 s4;
	_ =	sdelay $0x1  }
0x19: {  	s24 =	simm.s32 $0x1B8B  }
0x1a: {  	_ =	swait.ge [sflag:s24], $0x1  }
0x1b: {  	[sflag:s24] =	ssyncset.done $0x0  }
0x1c: {  	s26 =	simm.s32 $0x1B8E;
	s25 =	sld [smem:$0x3FFE];
	[sflag:s24] =	ssyncadd.s32 $0xFFFFFFFF  }
0x1d: {  	s27 =	simm.s32 $execute0_lowered;
	[smem:$0x3FD2] =	sst s26  }
0x1e: {  	s5 =	sshll.u32 s27, $0x1;
	_ =	strace $0x80000049;
	[dreg:$0x1] =	wrdreg $0xFFFFFFFF  }
0x1f: {  	s28 =	simm.s32 $_size_execute0_lowered;
	s3 =	sadd.s32 s3, s5;
	[dreg:$0x0] =	wrdreg $0x0  }
0x20: {  	s5 =	sshll.u32 s28, $0x1;
	[dreg:$0x2] =	wrdreg s3  }
0x21: {  	[dreg:$0x3] =	wrdreg s5  }
0x22: {  	[dreg:$0x4] =	wrdreg $0xC0  }
0x23: {  	_ =	task [dreg:s7], $0x5FFFF  }
0x24: {  	[dreg:$0x1] =	wrdreg $0xFFFFFFFF  }
0x25: {  	[dreg:$0x0] =	wrdreg $0x60  }
0x26: {  	[dreg:$0x2] =	wrdreg s25  }
0x27: {  	[dreg:$0x3] =	wrdreg s2  }
0x28: {  	[dreg:$0x4] =	wrdreg $0x9  }
0x29: {  	_ =	task.clear_ibuf [dreg:s7], $0x5FFFF;
	_ =	strace $0x90000049  }
0x2a: {  	s29 =	simm.s32 $0x9;
	_ =	strace $0x8000004B  }
0x2b: {  	_ =	swait.ge [sflag:s29], $0x1  }
0x2c: {  	[sflag:s29] =	ssyncadd.s32 $0xFFFFFFFF  }
0x2d: {  	_ =	strace $0x9000004B  }
0x2e: {  	_ =	sfence  }
0x2f: {  	s30 =	sld [smem:$0x0];
	_ =	sdelay $0x2  }
0x30: {  	s31 =	sshll.u32 s1, $0xD;
	s1 =	sshrl.u32 s1, $0x2  }
0x31: {  	s3 =	sand.u32 $0x4000, s31;
	s1 =	sadd.s32 s1, s30  }
0x32: {  	s0 =	sor.u32 s3, s0;
	s1 =	sshll.u32 s1, $0x11  }
0x33: {  	s0 =	sor.u32 s1, s0  }
0x34: {  	s0 =	sadd.s32 $0x8F2B, s0  }
0x35: {  	[sflag:s0] =	ssyncadd.remote.s32 $0x1  }
0x36: {  	_ =	sfence.sel $0xFFFF  }
0x37: {  	[dreg:$0x0] =	wrdreg $0xFFFFFFFF;
	(pc) =	sbr.abs _section_cstart, $3  }
0x38: {  	[dreg:$0x1] =	wrdreg $0xFFFFFFFF  }
0x39: {  	_ =	task.clear_ibuf [dreg:s7], $0x2FFFF;
	_ =	strace $0x9FFFFFFF  }
0x3a: {  	(tm) =	ssettm $0x7FFFFFFF  }
0x3b: {  	_ =	shalt  }
tec
execute0_lowered:
.L_overlay_start_1:
0x0: {  	(tag) =	ssettag $0x1  }
0x1: {  	s0 =	srdreg.scid  }
0x2: {  	s1 =	sshll.u32 s0, $0x4  }
0x3: {  	s0 =	stileid.u32;
	s1 =	sand.u32 $0x10, s1  }
0x4: {  	s1 =	sor.u32 s0, s1  }
0x5: {  	s6 =	rddreg [dreg:$0x0];
	s4 =	simm.s32 $0x1;
	s2 =	sshll.u32 s1, $0x7  }
0x6: {  	s7 =	simm.s32 $0x2;
	s13 =	simm.s32 $0x0;
	s1 =	ssub.s32 $0x4000, s2  }
0x7: {  	s8 =	simm.s32 $0x10000;
	s12 =	simm.s32 $0x0;
	s3 =	sand.u32 $0xF80, s1  }
0x8: {  	s9 =	simm.s32 $0x0;
	s5 =	sshrl.u32 s1, $0xC;
	p0 =	sne.s32 s3, $0x0  }
.Ltmp0:
0x9: {  	s1 =	rddreg [dreg:$0x2];
	s4 =	simm.s32 @!p0 $0x0;
	(pc) =	sbr.rel .LBB1_1-.Ltmp0, $4  }
0xa: {  	s11 =	simm.s32 $0x0;
	s3 =	rddreg [dreg:$0x1];
	s5 =	sadd.s32 s4, s5  }
0xb: {  	_ =	strace $0x8000004A;
	s4 =	simm.s32 $0x1;
	s5 =	smul.u32 $0xD, s5  }
0xc: {  	s6 =	sadd.s32 $0x1A0A00, s6;
	s10 =	smov.u32 s2;
	[sflag:s4] =	ssyncpa.u1 $0x0  }
0xd: {  	p0 =	por $0x0, $0x0;
	[sflag:s7] =	ssyncpa.u1 $0x0;
	s7 =	sadd.s32 $0x1, s5  }
.LBB1_4:
0xe: {  	v1 =	vperm.xlane.i2c.b16 v1;
	v0 =	vperm.xlane.i2c.b16 v0  }
0xf: {  	v2 =	vperm.xlane.i2c.b16 v2;
	v3 =	vperm.xlane.i2c.b16 v3  }
0x10: {  	[tilespmem:s16+$0x0 ss:$0x81] =	vst.msk $0xffff, v5;
	s17 =	sshra.s32 s17, $0x2;
	s18 =	sshll.u32 s12, $0x3;
	s19 =	sshll.u32 s12, $0x1;
	v62 =	vcombine.low v0, v1  }
0x11: {  	s13 =	sshll.u32 s13, $0x10;
	s30 =	sshrl.u32 s12, $0x1;
	[tilespmem:s16+$0x1020 ss:$0x81] =	vst.msk $0xffff, v4;
	s15 =	sadd.s32 s17, s15;
	v63 =	vcombine.low v3, v2  }
0x12: {  	s31 =	sand.u32 $0x7, s12;
	s28 =	sand.u32 $0xF0, s19;
	s29 =	sand.u32 $0x3C00, s18;
	v0 =	vcombine.high v0, v1;
	[tilespmem:s15+$0x810 ss:$0x81] =	vst.msk $0xffff, v62  }
0x13: {  	s17 =	sand.u32 $0xFC00, s30;
	s13 =	sadd.s32 s3, s13;
	s16 =	sor.u32 s28, s29;
	v2 =	vcombine.high v3, v2;
	[tilespmem:s15+$0x0 ss:$0x81] =	vst.msk $0xffff, v63  }
0x14: {  	s12 =	sshll.u32 s31, $0x12;
	s13 =	sadd.s32 s17, s13;
	s16 =	sshrl.u32 s16, $0x4;
	[tilespmem:s15+$0x1830 ss:$0x81] =	vst.msk $0xffff, v0  }
0x15: {  	s12 =	sor.u32 $0x200, s12;
	s13 =	sadd.s32 s16, s13;
	[tilespmem:s15+$0x1020 ss:$0x81] =	vst.msk $0xffff, v2  }
0x16: {  	[hbm4b:s13+s12] =	stream.strided.scatter [tilespmem:s14], [sflag:$0x2], $0x2000, s8, s12, $0x20;
	[tilespmem:$0x8080] =	vst v63  }
.LBB1_5:
0x17: {  	s14 =	sadd.s32 $0x2, s9  }
0x18: {  	s12 =	sadd.s32 $0x1000, s10;
	s16 =	smov.u32 s10;
	p2 =	sgt.s32 s14, $0x19  }
0x19: {  	s16 =	smov.u32 @p2 s12  }
0x1a: {  	s14 =	simm.s32 @p2 $0x0;
	p2 =	sgt.s32 s16, $0x3FFF  }
0x1b: {  	s16 =	smov.u32 @p2 s2;
	p2 =	sne.s32 s11, s7  }
.Ltmp1:
0x1c: {  	p1 =	slt.u32 s11, $0x2;
	(pc) =	sbr.rel @!p2 .LBB1_6-.Ltmp1, $4  }
0x1d: {  	s15 =	simm.s32 @!p1 $0x2  }
0x1e: {  	s13 =	smov.u32 s9;
	p0 =	por !p0, !p0;
	_ =	swait.ge @!p1 [sflag:s15], $0x2000  }
0x1f: {  	s12 =	smov.u32 s10;
	[sflag:s15] =	ssyncset.done @!p1 $0x0;
	s9 =	smov.u32 s14  }
0x20: {  	s11 =	sadd.s32 $0x1, s11;
	[sflag:s15] =	ssyncadd.s32 @!p1 $0xFFFFE000;
	s10 =	smov.u32 s16  }
.LBB1_1:
0x21: {  	p1 =	sge.u32 s11, s5  }
0x22: {  	s14 =	sshll.u32 @!p1 s10, $0x8;
	s15 =	sshll.u32 @!p1 s9, $0x3  }
0x23: {  	s16 =	sxor.u32 @!p1 $0xFFFFFFFF, s11;
	s15 =	sand.u32 @!p1 $0xF0, s15;
	s14 =	sadd.s32 @!p1 s6, s14  }
0x24: {  	s31 =	sadd.s32 $0xFFFFFFFF, s11;
	s14 =	sadd.s32 @!p1 s15, s14;
	s15 =	sshll.u32 @!p1 s16, $0xD  }
0x25: {  	s17 =	simm.s32 @!p1 $0x800;
	s16 =	simm.s32 @!p1 $0x40;
	s15 =	sand.u32 @!p1 $0x2000, s15  }
0x26: {  	[tilespmem:s15], [sflag:$0x1] =	stream.strided.gather @!p1 [hbm4b:s14+s16], $0x2000, s17, s16, $0x38;
	[tilespmem:$0x8080] =	vst v63  }
0x27: {  	p1 =	sge.u32 s31, s5  }
.Ltmp2:
0x28: {  	_ = 	snop;
	(pc) =	sbr.rel @p1 .LBB1_5-.Ltmp2, $1  }
0x29: {  	_ =	sdelay $0x3  }
0x2a: {  	s14 =	simm.s32 $0x1  }
0x2b: {  	_ =	swait.ge [sflag:s4], $0x2000;
	s14 =	simm.s32 @!p0 $0x0  }
0x2c: {  	[sflag:s4] =	ssyncset.done $0x0;
	s15 =	sshll.u32 s14, $0xD  }
0x2d: {  	[sflag:s4] =	ssyncadd.s32 $0xFFFFE000;
	s15 =	sor.u32 $0x20, s15  }
0x2e: {  	v0 =	vld [tilespmem:s15+$0x0]  }
0x2f: {  	v1 =	vld [tilespmem:s15+$0x10]  }
0x30: {  	v2 =	vld [tilespmem:s15+$0xFFFFFFF0]  }
0x31: {  	v3 =	vld [tilespmem:s15+$0xFFFFFFE0];
	_ =	sdelay $0x1  }
0x32: {  	s14 =	smul.u32 $0x8100, s14;
	s19 =	sadd.s32 $0x40, s15  }
0x33: {  	s16 =	sand.u32 $0x1, s11;
	v4 =	vperm.xlane.i2c.b16 v1;
	v5 =	vperm.xlane.i2c.b16 v0;
	v0 =	vld [tilespmem:s19+$0x0]  }
0x34: {  	s16 =	smul.u32 $0x8100, s16;
	s14 =	sshrl.u32 s14, $0x2;
	v6 =	vperm.xlane.i2c.b16 v2;
	v1 =	vld [tilespmem:s19+$0x10]  }
0x35: {  	s15 =	sor.u32 $0x4000, s14;
	v8 =	vperm.xlane.i2c.b16 v3;
	v2 =	vld [tilespmem:s19+$0xFFFFFFF0];
	v7 =	vcombine.low v5, v4  }
0x36: {  	s31 =	sshrl.u32 s16, $0x2;
	s16 =	sadd.s32 $0x0, s15;
	v3 =	vld [tilespmem:s19+$0xFFFFFFE0];
	v9 =	vcombine.high v5, v4  }
0x37: {  	s17 =	simm.s32 $0x4;
	v5 =	vcombine.low v8, v6;
	[tilespmem:s16+$0x810 ss:$0x81] =	vst.msk $0xffff, v7  }
0x38: {  	s18 =	simm.s32 $0x8;
	s14 =	sor.u32 $0x4000, s31;
	s19 =	sadd.s32 $0x40, s19;
	v4 =	vcombine.high v8, v6;
	[tilespmem:s16+$0x1830 ss:$0x81] =	vst.msk $0xffff, v9  }
.LBB1_3:
0x39: {  	v6 =	vperm.xlane.i2c.b16 v1;
	v7 =	vperm.xlane.i2c.b16 v0;
	v0 =	vld [tilespmem:s19+$0x0];
	[tilespmem:s16+$0x0 ss:$0x81] =	vst.msk $0xffff, v5;
	s20 =	smov.u32 s18;
	p1 =	sne.s32 s18, $0x1FC  }
.Ltmp3:
0x3a: {  	v8 =	vperm.xlane.i2c.b16 v2;
	v1 =	vld [tilespmem:s19+$0x10];
	[tilespmem:s16+$0x1020 ss:$0x81] =	vst.msk $0xffff, v4;
	(pc) =	sbr.rel @p1 .LBB1_3-.Ltmp3, $4  }
0x3b: {  	s18 =	sadd.s32 $0x4, s18;
	v4 =	vperm.xlane.i2c.b16 v3;
	s16 =	sshra.s32 s17, $0x2;
	v2 =	vld [tilespmem:s19+$0xFFFFFFF0];
	v9 =	vcombine.low v7, v6  }
0x3c: {  	s17 =	smov.u32 s20;
	s16 =	sadd.s32 s16, s15;
	v6 =	vcombine.high v7, v6;
	v3 =	vld [tilespmem:s19+$0xFFFFFFE0]  }
0x3d: {  	v5 =	vcombine.low v4, v8;
	v4 =	vcombine.high v4, v8;
	[tilespmem:s16+$0x810 ss:$0x81] =	vst.msk $0xffff, v9  }
0x3e: {  	s19 =	sadd.s32 $0x40, s19;
	[tilespmem:s16+$0x1830 ss:$0x81] =	vst.msk $0xffff, v6  }
.Ltmp4:
0x3f: {  	_ = 	snop;
	(pc) =	sbr.rel .LBB1_4-.Ltmp4, $1  }
0x40: {  	_ =	sdelay $0x3  }
.LBB1_6:
0x41: {  	_ =	sfence.sel $0x180000  }
0x42: {  	s2 =	simm.s32 $0x1;
	[bflag:$0x0] =	sbarrier.arrive $0xFFFF  }
0x43: {  	s31 =	simm.s32 $0x2;
	[sflag:s2] =	ssyncpa.u1 $0x1  }
0x44: {  	[sflag:s31] =	ssyncpa.u1 $0x1  }
0x45: {  	p0 =	sne.s32 s0, $0x0;
	_ =	strace $0x9000004A  }
0x46: {  	s0 =	sadd.s32 @!p0 $0x100000, s1;
	[bflag:$0x2] =	sbarrier.arrive $0xFFFF  }
0x47: {  	[sflag:s0] =	ssyncadd.tile.s32 @!p0 $0x1;
	_ =	shalt  }
.Lfunc_end1:
_tile_overlayer_lowered:
.L_overlay_start_2:
0x48: {  	(tag) =	ssettag $0x2  }
0x49: {  	s0 =	rddreg [dreg:$0x0];
	s2 =	stileid.u32  }
0x4a: {  	s1 =	rddreg [dreg:$0x1];
	p0 =	sne.s32 s2, $0x0  }
0x4b: {  	s3 =	rddreg [dreg:$0x2];
	[bflag:$0x3] =	sbarrier.arrive $0xFFFF;
	s2 =	simm.s32 @!p0 $0x1C01  }
0x4c: {  	[timem:s3], [sflag:s2] =	dma.local @!p0 [hbm:s0], s1  }
0x4d: {  	s0 =	simm.s32 @!p0 $0x1  }
0x4e: {  	_ =	swait.ge @!p0 [sflag:s0], s1  }
0x4f: {  	s1 =	ssub.s32 @!p0 $0x0, s1;
	[sflag:s0] =	ssyncset.done @!p0 $0x0  }
0x50: {  	[sflag:s0] =	ssyncadd.s32 @!p0 s1  }
0x51: {  	[bflag:$0x3] =	sbarrier.arrive $0xFFFF  }
0x52: {  	_ =	shalt  }

</sc_bundles>
